<compile_context>
chip_gen: v7x
topology: tpu7x:2x2x1
jax: 0.10.2.dev20260603
libtpu: 0.0.44.dev20260713+nightly
codegen_flags: <defaults>
</compile_context>

<pallas_src>
import functools

import jax
import jax.numpy as jnp
from jax import lax
from jax.experimental import pallas as pl
from jax.experimental.pallas import tpu as pltpu
from jax.experimental.pallas import tpu_sc as plsc

_NC = 2
_NS = 16
_DW = 16
_K = 40
_G = 5


def _mesh():
    return plsc.VectorSubcoreMesh(
        core_axis_name="c", subcore_axis_name="s",
        num_cores=_NC, num_subcores=_NS)


def _striped_copy(n, s, copy_fn):
    rpt8 = (n // _NS) // 8 * 8
    rem = n - _NS * rpt8
    copy_fn(pl.ds(s * rpt8, rpt8))
    if rem:
        @pl.when(s == _NS - 1)
        def _():
            copy_fn(pl.ds(_NS * rpt8, rem))


def _sc_degree(dst, init):
    e = dst.shape[0]
    n = init.shape[1]
    nw = _NC * _NS
    epw = e // nw
    gk = _G * _K
    ngrp = epw // gk
    npair = ngrp // 2

    @functools.partial(
        pl.kernel,
        out_type=jax.ShapeDtypeStruct((_NC, n, _DW), jnp.float32),
        mesh=_mesh(),
        scratch_types=[
            pltpu.VMEM((gk,), jnp.int32),
            pltpu.VMEM((gk,), jnp.int32),
            pltpu.VMEM((_K, _DW), jnp.float32),
            pltpu.VMEM_SHARED((n, _DW), jnp.float32),
        ] + [pltpu.SemaphoreType.DMA] * (_G + 2),
    )
    def deg_kernel(dst_hbm, init_hbm, out_hbm, dsta, dstb, ones, acc, *sems):
        semsc = sems[:_G]
        semia, semib = sems[_G:]
        c = lax.axis_index("c")
        s = lax.axis_index("s")
        base = (c * _NS + s) * epw

        def idx_slice(t):
            return dst_hbm.at[pl.ds(base + t * gk, gk)]

        def scatter_group(dref):
            scs = [pltpu.async_copy(
                       ones, acc.at[dref.at[pl.ds(i * _K, _K)]], semsc[i],
                       add=True)
                   for i in range(_G)]
            for d in scs:
                d.wait()

        @pl.loop(0, _K)
        def _(i):
            ones[i, :] = jnp.full((_DW,), 1.0, jnp.float32)

        _striped_copy(n, s, lambda sl: pltpu.sync_copy(
            init_hbm.at[c].at[sl], acc.at[sl]))
        pltpu.async_copy(idx_slice(0), dsta, semia)
        plsc.subcore_barrier()

        @pl.loop(0, npair - 1)
        def _(u):
            pltpu.make_async_copy(idx_slice(2 * u), dsta, semia).wait()
            pltpu.async_copy(idx_slice(2 * u + 1), dstb, semib)
            scatter_group(dsta)
            pltpu.make_async_copy(idx_slice(2 * u + 1), dstb, semib).wait()
            pltpu.async_copy(idx_slice(2 * u + 2), dsta, semia)
            scatter_group(dstb)

        pltpu.make_async_copy(idx_slice(ngrp - 2), dsta, semia).wait()
        pltpu.async_copy(idx_slice(ngrp - 1), dstb, semib)
        scatter_group(dsta)
        pltpu.make_async_copy(idx_slice(ngrp - 1), dstb, semib).wait()
        scatter_group(dstb)

        plsc.subcore_barrier()
        _striped_copy(n, s, lambda sl: pltpu.sync_copy(
            acc.at[sl], out_hbm.at[c].at[sl]))

    return deg_kernel(dst, init)


@functools.lru_cache(maxsize=None)
def _make_sc_aggregate(n, h, e):
    nw = _NC * _NS
    epw = e // nw
    kw = 80
    nwin = epw // kw
    assert nwin > 9

    @functools.partial(
        pl.kernel,
        out_type=jax.ShapeDtypeStruct((_NC, n, h), jnp.float32),
        mesh=_mesh(),
        scratch_types=[pltpu.VMEM((kw,), jnp.int32)] * 8
        + [pltpu.VMEM((kw, h), jnp.float32)] * 4
        + [pltpu.VMEM_SHARED((n, h), jnp.float32)]
        + [pltpu.SemaphoreType.DMA] * 12,
    )
    def agg_kernel(hs_hbm, src_hbm, dst_hbm, out_hbm, *rest):
        srcb = rest[0:4]
        dstb = rest[4:8]
        rows = rest[8:12]
        acc = rest[12]
        semg = rest[13:17]
        semsc = rest[17:21]
        semi = rest[21:25]
        c = lax.axis_index("c")
        s = lax.axis_index("s")
        base = (c * _NS + s) * epw

        def load_idx(t, m):
            sl = pl.ds(base + t * kw, kw)
            pltpu.async_copy(src_hbm.at[sl], srcb[m], semi[m])
            pltpu.async_copy(dst_hbm.at[sl], dstb[m], semi[m])

        def wait_idx(t, m):
            sl = pl.ds(base + t * kw, kw)
            pltpu.make_async_copy(src_hbm.at[sl], srcb[m], semi[m]).wait()
            pltpu.make_async_copy(dst_hbm.at[sl], dstb[m], semi[m]).wait()

        def fire_gather(m):
            pltpu.async_copy(hs_hbm.at[srcb[m]], rows[m], semg[m])

        def drain_gather(m):
            pltpu.make_async_copy(hs_hbm.at[srcb[m]], rows[m], semg[m]).wait()

        def fire_scatter(m):
            pltpu.async_copy(rows[m], acc.at[dstb[m]], semsc[m], add=True)

        def drain_scatter(m):
            pltpu.make_async_copy(rows[m], acc.at[dstb[m]], semsc[m]).wait()

        def phase(t, j, first=False):
            drain_gather(j % 4)
            fire_scatter(j % 4)
            if not first:
                drain_scatter((j - 1) % 4)
            if not isinstance(t, int) or t + 2 < nwin:
                wait_idx(t + 2, (j + 2) % 4)
                fire_gather((j + 2) % 4)
            if not isinstance(t, int) or t + 3 < nwin:
                load_idx(t + 3, (j + 3) % 4)

        _striped_copy(n, s, lambda sl: pltpu.sync_copy(
            hs_hbm.at[sl], acc.at[sl]))
        load_idx(0, 0)
        load_idx(1, 1)
        load_idx(2, 2)
        plsc.subcore_barrier()
        wait_idx(0, 0)
        fire_gather(0)
        wait_idx(1, 1)
        fire_gather(1)

        phase(0, 0, first=True)
        phase(1, 1)
        phase(2, 2)
        phase(3, 3)
        nq = (nwin - 4) // 4

        @pl.loop(1, 1 + nq)
        def _(u):
            t = 4 * u
            phase(t, 0)
            phase(t + 1, 1)
            phase(t + 2, 2)
            phase(t + 3, 3)

        for t in range(4 + 4 * nq, nwin):
            phase(t, t % 4)
        drain_scatter((nwin - 1) % 4)

        plsc.subcore_barrier()
        _striped_copy(n, s, lambda sl: pltpu.sync_copy(
            acc.at[sl], out_hbm.at[c].at[sl]))

    return jax.jit(agg_kernel)


def _sc_aggregate(hs, src, dst):
    n, h = hs.shape
    return _make_sc_aggregate(n, h, src.shape[0])(hs, src, dst)


def _tc_matmul(x, w):
    n = x.shape[0]
    h = w.shape[1]

    def body(x_ref, w_ref, o_ref):
        o_ref[...] = jnp.dot(x_ref[...], w_ref[...],
                             preferred_element_type=jnp.float32)

    return pl.pallas_call(
        body, out_shape=jax.ShapeDtypeStruct((n, h), jnp.float32))(x, w)


def _tc_scale(h1, degp):
    n, h = h1.shape

    def body(h_ref, deg_ref, hs_ref, dinv_ref):
        deg = deg_ref[0] + deg_ref[1]
        dinv = lax.rsqrt(deg)
        dcol = dinv[:, 0:1]
        hs_ref[...] = h_ref[...] * dcol
        dinv_ref[...] = dcol

    return pl.pallas_call(
        body,
        out_shape=[
            jax.ShapeDtypeStruct((n, h), jnp.float32),
            jax.ShapeDtypeStruct((n, 1), jnp.float32),
        ],
    )(h1, degp)


def _tc_mid(p, hs, dinv, b, g, be, w_next):
    n, h = hs.shape

    def body(p_ref, hs_ref, dinv_ref, b_ref, g_ref, be_ref, w_ref, o_ref):
        dcol = dinv_ref[...]
        z = dcol * (p_ref[0] + p_ref[1] - hs_ref[...]) + b_ref[...][None, :]
        mean = jnp.mean(z, axis=0, keepdims=True)
        zc = z - mean
        var = jnp.mean(zc * zc, axis=0, keepdims=True)
        zn = g_ref[...][None, :] * zc * lax.rsqrt(var + 1e-5) + be_ref[...][None, :]
        a = jnp.maximum(zn, 0.0)
        o_ref[...] = jnp.dot(a, w_ref[...], preferred_element_type=jnp.float32) * dcol

    return pl.pallas_call(
        body,
        out_shape=jax.ShapeDtypeStruct((n, h), jnp.float32),
    )(p, hs, dinv, b, g, be, w_next)


def _tc_fin(p, hs, dinv, b):
    n, h = hs.shape

    def body(p_ref, hs_ref, dinv_ref, b_ref, o_ref):
        dcol = dinv_ref[...]
        o_ref[...] = dcol * (p_ref[0] + p_ref[1] - hs_ref[...]) + b_ref[...][None, :]

    return pl.pallas_call(
        body,
        out_shape=jax.ShapeDtypeStruct((n, h), jnp.float32),
    )(p, hs, dinv, b)


def kernel(x, edge_index, W1, b1, W2, b2, W3, b3, g1, be1, g2, be2):
    n = x.shape[0]
    e = edge_index.shape[1]
    src = edge_index[0]
    dst = edge_index[1]
    init = jnp.concatenate(
        [jnp.ones((1, n, _DW), jnp.float32), jnp.zeros((1, n, _DW), jnp.float32)]
    )
    h1 = _tc_matmul(x, W1)
    degp = _sc_degree(dst, init)
    hs1, dinv = _tc_scale(h1, degp)
    p1 = _sc_aggregate(hs1, src, dst)
    hs2 = _tc_mid(p1, hs1, dinv, b1, g1, be1, W2)
    p2 = _sc_aggregate(hs2, src, dst)
    hs3 = _tc_mid(p2, hs2, dinv, b2, g2, be2, W3)
    p3 = _sc_aggregate(hs3, src, dst)
    return _tc_fin(p3, hs3, dinv, b3)

# --- scband reference (transcript-rebuilt; emitter-appended) ---
"""Pipeline reference for scband-gcn-9964324127121 (READ-ONLY COPY).

The authoritative reference and input builder live on the scoring server;
editing this copy changes nothing except your own understanding.
"""

import jax, jax.numpy as jnp
import numpy as np

N = 10000
E = 320000
D_IN = 128
H = 128


def setup_inputs(seed: int = 0) -> dict:
    key = jax.random.key(seed)
    ks = jax.random.split(key, 12)
    x = jax.random.normal(ks[0], (N, D_IN), dtype=jnp.float32)
    edge_index = jax.random.randint(ks[1], (2, E), 0, N, dtype=jnp.int32)
    s_in = 1.0 / np.sqrt(D_IN)
    s_h = 1.0 / np.sqrt(H)
    W1 = jax.random.normal(ks[2], (D_IN, H), dtype=jnp.float32) * s_in
    b1 = jnp.zeros((H,), jnp.float32)
    W2 = jax.random.normal(ks[3], (H, H), dtype=jnp.float32) * s_h
    b2 = jnp.zeros((H,), jnp.float32)
    W3 = jax.random.normal(ks[4], (H, H), dtype=jnp.float32) * s_h
    b3 = jnp.zeros((H,), jnp.float32)
    g1 = jnp.ones((H,), jnp.float32)
    be1 = jnp.zeros((H,), jnp.float32)
    g2 = jnp.ones((H,), jnp.float32)
    be2 = jnp.zeros((H,), jnp.float32)
    return {"x": x, "edge_index": edge_index, "W1": W1, "b1": b1, "W2": W2, "b2": b2,
            "W3": W3, "b3": b3, "g1": g1, "be1": be1, "g2": g2, "be2": be2}


def gcn_conv(x, edge_index, W, b):
    # GCNConv with add_self_loops=True and symmetric normalization D^-1/2 (A+I) D^-1/2
    n = x.shape[0]
    loops = jnp.arange(n, dtype=edge_index.dtype)
    src = jnp.concatenate([edge_index[0], loops])
    dst = jnp.concatenate([edge_index[1], loops])
    deg = jnp.zeros((n,), jnp.float32).at[dst].add(1.0)
    dinv = jnp.where(deg > 0, 1.0 / jnp.sqrt(deg), 0.0)
    norm = dinv[src] * dinv[dst]
    h = x @ W
    msg = h[src] * norm[:, None]
    out = jax.ops.segment_sum(msg, dst, num_segments=n)
    return out + b


def batchnorm(z, gamma, beta, eps=1e-5):
    mean = jnp.mean(z, axis=0)
    var = jnp.var(z, axis=0)
    return gamma * (z - mean) / jnp.sqrt(var + eps) + beta


def reference(x, edge_index, W1, b1, W2, b2, W3, b3, g1, be1, g2, be2):
    # encode(): dropout=0.0 so omitted; conv -> bn -> relu for all but last layer
    z = gcn_conv(x, edge_index, W1, b1)
    z = batchnorm(z, g1, be1)
    z = jax.nn.relu(z)
    z = gcn_conv(z, edge_index, W2, b2)
    z = batchnorm(z, g2, be2)
    z = jax.nn.relu(z)
    z = gcn_conv(z, edge_index, W3, b3)
    return z

if __name__ == "__main__":
    import jax
    _d = setup_inputs()
    print(jax.jit(kernel)(*tuple(_d.values())))

</pallas_src>

<mosaic_0001>
#map = affine_map<(d0, d1) -> (0, 0)>
#map1 = affine_map<(d0, d1) -> (0)>
#map2 = affine_map<(d0, d1) -> (0, 0, 0)>
module attributes {stable_mosaic.version = 14 : i64} {
  func.func @agg_kernel(%arg0: i32, %arg1: i32, %arg2: memref<10000x128xf32, #tpu.memory_space<hbm>>, %arg3: memref<320000xi32, #tpu.memory_space<hbm>>, %arg4: memref<320000xi32, #tpu.memory_space<hbm>>, %arg5: memref<2x10000x128xf32, #tpu.memory_space<hbm>>, %arg6: memref<80xi32, #tpu.memory_space<vmem>>, %arg7: memref<80xi32, #tpu.memory_space<vmem>>, %arg8: memref<80xi32, #tpu.memory_space<vmem>>, %arg9: memref<80xi32, #tpu.memory_space<vmem>>, %arg10: memref<80xi32, #tpu.memory_space<vmem>>, %arg11: memref<80xi32, #tpu.memory_space<vmem>>, %arg12: memref<80xi32, #tpu.memory_space<vmem>>, %arg13: memref<80xi32, #tpu.memory_space<vmem>>, %arg14: memref<80x128xf32, #tpu.memory_space<vmem>>, %arg15: memref<80x128xf32, #tpu.memory_space<vmem>>, %arg16: memref<80x128xf32, #tpu.memory_space<vmem>>, %arg17: memref<80x128xf32, #tpu.memory_space<vmem>>, %arg18: memref<10000x128xf32, #tpu.memory_space<vmem_shared>>, %arg19: memref<!tpu.dma_semaphore, #tpu.memory_space<semaphore_mem>>, %arg20: memref<!tpu.dma_semaphore, #tpu.memory_space<semaphore_mem>>, %arg21: memref<!tpu.dma_semaphore, #tpu.memory_space<semaphore_mem>>, %arg22: memref<!tpu.dma_semaphore, #tpu.memory_space<semaphore_mem>>, %arg23: memref<!tpu.dma_semaphore, #tpu.memory_space<semaphore_mem>>, %arg24: memref<!tpu.dma_semaphore, #tpu.memory_space<semaphore_mem>>, %arg25: memref<!tpu.dma_semaphore, #tpu.memory_space<semaphore_mem>>, %arg26: memref<!tpu.dma_semaphore, #tpu.memory_space<semaphore_mem>>, %arg27: memref<!tpu.dma_semaphore, #tpu.memory_space<semaphore_mem>>, %arg28: memref<!tpu.dma_semaphore, #tpu.memory_space<semaphore_mem>>, %arg29: memref<!tpu.dma_semaphore, #tpu.memory_space<semaphore_mem>>, %arg30: memref<!tpu.dma_semaphore, #tpu.memory_space<semaphore_mem>>) attributes {dimension_semantics = [#tpu.dimension_semantics<core_parallel>, #tpu.dimension_semantics<subcore_parallel>], iteration_bounds = array<i64: 2, 16>, scalar_prefetch = 0 : i64, scratch_operands = 25 : i64, tpu.core_type = #tpu.core_type<sc_vector_subcore>, window_params = [{transform_indices = #map}, {transform_indices = #map1}, {transform_indices = #map1}, {transform_indices = #map2}]} {
    %mul3A = arith.constant 16 : i32
    %mul3A_0 = arith.muli %arg0, %mul3A : i32
    %add3A = arith.addi %mul3A_0, %arg1 : i32
    %mul3A_1 = arith.constant 10000 : i32
    %mul3A_2 = arith.muli %add3A, %mul3A_1 : i32
    %mul3A_3 = arith.constant 624 : i32
    %mul3A_4 = arith.muli %arg1, %mul3A_3 : i32
    "tpu.region"() ({
      %run_scoped3A = tpu.sem_alloc : memref<!tpu.dma_semaphore, #tpu.memory_space<semaphore_mem>>
      %dma_start3A_158 = arith.constant 0 : i32
      %dma_start3A_159 = tpu.memref_slice %arg18[%mul3A_4, %dma_start3A_158] : memref<10000x128xf32, #tpu.memory_space<vmem_shared>> -> memref<624x128xf32, #tpu.memory_space<vmem_shared>>
      %dma_start3A_160 = arith.constant 0 : i32
      %dma_start3A_161 = tpu.memref_slice %arg2[%mul3A_4, %dma_start3A_160] : memref<10000x128xf32, #tpu.memory_space<hbm>> -> memref<624x128xf32, #tpu.memory_space<hbm>>
      tpu.enqueue_dma source(%dma_start3A_161 : memref<624x128xf32, #tpu.memory_space<hbm>>) target(%dma_start3A_159 : memref<624x128xf32, #tpu.memory_space<vmem_shared>>) target_semaphore(%run_scoped3A : memref<!tpu.dma_semaphore, #tpu.memory_space<semaphore_mem>>)
      %dma_wait3A_162 = arith.constant 0 : i32
      %dma_wait3A_163 = tpu.memref_slice %arg18[%mul3A_4, %dma_wait3A_162] : memref<10000x128xf32, #tpu.memory_space<vmem_shared>> -> memref<624x128xf32, #tpu.memory_space<vmem_shared>>
      %dma_wait3A_164 = arith.constant 0 : i32
      %dma_wait3A_165 = tpu.memref_slice %arg2[%mul3A_4, %dma_wait3A_164] : memref<10000x128xf32, #tpu.memory_space<hbm>> -> memref<624x128xf32, #tpu.memory_space<hbm>>
      tpu.wait_dma2 semaphore(%run_scoped3A : memref<!tpu.dma_semaphore, #tpu.memory_space<semaphore_mem>>) src(%dma_wait3A_165 : memref<624x128xf32, #tpu.memory_space<hbm>>) dst(%dma_wait3A_163 : memref<624x128xf32, #tpu.memory_space<vmem_shared>>)
      tpu.yield
    }) : () -> ()
    %eq3A = arith.constant 15 : i32
    %eq3A_5 = arith.cmpi eq, %arg1, %eq3A : i32
    %convert_element_type3A = arith.extui %eq3A_5 : i1 to i32
    %cond3A = arith.constant 0 : i32
    %cond3A_6 = arith.cmpi ne, %convert_element_type3A, %cond3A : i32
    scf.if %cond3A_6 {
      "tpu.region"() ({
        %run_scoped3A = tpu.sem_alloc : memref<!tpu.dma_semaphore, #tpu.memory_space<semaphore_mem>>
        %dma_start3A_158 = arith.constant 9984 : i32
        %dma_start3A_159 = arith.constant 0 : i32
        %dma_start3A_160 = tpu.memref_slice %arg18[%dma_start3A_158, %dma_start3A_159] : memref<10000x128xf32, #tpu.memory_space<vmem_shared>> -> memref<16x128xf32, #tpu.memory_space<vmem_shared>>
        %dma_start3A_161 = arith.constant 9984 : i32
        %dma_start3A_162 = arith.constant 0 : i32
        %dma_start3A_163 = tpu.memref_slice %arg2[%dma_start3A_161, %dma_start3A_162] : memref<10000x128xf32, #tpu.memory_space<hbm>> -> memref<16x128xf32, #tpu.memory_space<hbm>>
        tpu.enqueue_dma source(%dma_start3A_163 : memref<16x128xf32, #tpu.memory_space<hbm>>) target(%dma_start3A_160 : memref<16x128xf32, #tpu.memory_space<vmem_shared>>) target_semaphore(%run_scoped3A : memref<!tpu.dma_semaphore, #tpu.memory_space<semaphore_mem>>)
        %dma_wait3A_164 = arith.constant 9984 : i32
        %dma_wait3A_165 = arith.constant 0 : i32
        %dma_wait3A_166 = tpu.memref_slice %arg18[%dma_wait3A_164, %dma_wait3A_165] : memref<10000x128xf32, #tpu.memory_space<vmem_shared>> -> memref<16x128xf32, #tpu.memory_space<vmem_shared>>
        %dma_wait3A_167 = arith.constant 9984 : i32
        %dma_wait3A_168 = arith.constant 0 : i32
        %dma_wait3A_169 = tpu.memref_slice %arg2[%dma_wait3A_167, %dma_wait3A_168] : memref<10000x128xf32, #tpu.memory_space<hbm>> -> memref<16x128xf32, #tpu.memory_space<hbm>>
        tpu.wait_dma2 semaphore(%run_scoped3A : memref<!tpu.dma_semaphore, #tpu.memory_space<semaphore_mem>>) src(%dma_wait3A_169 : memref<16x128xf32, #tpu.memory_space<hbm>>) dst(%dma_wait3A_166 : memref<16x128xf32, #tpu.memory_space<vmem_shared>>)
        tpu.yield
      }) : () -> ()
    } else {
    }
    %add3A_7 = arith.constant 0 : i32
    %add3A_8 = arith.addi %mul3A_2, %add3A_7 : i32
    %dma_start3A = tpu.memref_slice %arg3[%add3A_8] : memref<320000xi32, #tpu.memory_space<hbm>> -> memref<80xi32, #tpu.memory_space<hbm>>
    %dma_start3A_9 = tpu.memref_slice %arg3[%add3A_8] : memref<320000xi32, #tpu.memory_space<hbm>> -> memref<80xi32, #tpu.memory_space<hbm>>
    tpu.enqueue_dma source(%dma_start3A_9 : memref<80xi32, #tpu.memory_space<hbm>>) target(%arg6 : memref<80xi32, #tpu.memory_space<vmem>>) target_semaphore(%arg27 : memref<!tpu.dma_semaphore, #tpu.memory_space<semaphore_mem>>)
    %dma_start3A_10 = tpu.memref_slice %arg4[%add3A_8] : memref<320000xi32, #tpu.memory_space<hbm>> -> memref<80xi32, #tpu.memory_space<hbm>>
    %dma_start3A_11 = tpu.memref_slice %arg4[%add3A_8] : memref<320000xi32, #tpu.memory_space<hbm>> -> memref<80xi32, #tpu.memory_space<hbm>>
    tpu.enqueue_dma source(%dma_start3A_11 : memref<80xi32, #tpu.memory_space<hbm>>) target(%arg10 : memref<80xi32, #tpu.memory_space<vmem>>) target_semaphore(%arg27 : memref<!tpu.dma_semaphore, #tpu.memory_space<semaphore_mem>>)
    %add3A_12 = arith.constant 80 : i32
    %add3A_13 = arith.addi %mul3A_2, %add3A_12 : i32
    %dma_start3A_14 = tpu.memref_slice %arg3[%add3A_13] : memref<320000xi32, #tpu.memory_space<hbm>> -> memref<80xi32, #tpu.memory_space<hbm>>
    %dma_start3A_15 = tpu.memref_slice %arg3[%add3A_13] : memref<320000xi32, #tpu.memory_space<hbm>> -> memref<80xi32, #tpu.memory_space<hbm>>
    tpu.enqueue_dma source(%dma_start3A_15 : memref<80xi32, #tpu.memory_space<hbm>>) target(%arg7 : memref<80xi32, #tpu.memory_space<vmem>>) target_semaphore(%arg28 : memref<!tpu.dma_semaphore, #tpu.memory_space<semaphore_mem>>)
    %dma_start3A_16 = tpu.memref_slice %arg4[%add3A_13] : memref<320000xi32, #tpu.memory_space<hbm>> -> memref<80xi32, #tpu.memory_space<hbm>>
    %dma_start3A_17 = tpu.memref_slice %arg4[%add3A_13] : memref<320000xi32, #tpu.memory_space<hbm>> -> memref<80xi32, #tpu.memory_space<hbm>>
    tpu.enqueue_dma source(%dma_start3A_17 : memref<80xi32, #tpu.memory_space<hbm>>) target(%arg11 : memref<80xi32, #tpu.memory_space<vmem>>) target_semaphore(%arg28 : memref<!tpu.dma_semaphore, #tpu.memory_space<semaphore_mem>>)
    %add3A_18 = arith.constant 160 : i32
    %add3A_19 = arith.addi %mul3A_2, %add3A_18 : i32
    %dma_start3A_20 = tpu.memref_slice %arg3[%add3A_19] : memref<320000xi32, #tpu.memory_space<hbm>> -> memref<80xi32, #tpu.memory_space<hbm>>
    %dma_start3A_21 = tpu.memref_slice %arg3[%add3A_19] : memref<320000xi32, #tpu.memory_space<hbm>> -> memref<80xi32, #tpu.memory_space<hbm>>
    tpu.enqueue_dma source(%dma_start3A_21 : memref<80xi32, #tpu.memory_space<hbm>>) target(%arg8 : memref<80xi32, #tpu.memory_space<vmem>>) target_semaphore(%arg29 : memref<!tpu.dma_semaphore, #tpu.memory_space<semaphore_mem>>)
    %dma_start3A_22 = tpu.memref_slice %arg4[%add3A_19] : memref<320000xi32, #tpu.memory_space<hbm>> -> memref<80xi32, #tpu.memory_space<hbm>>
    %dma_start3A_23 = tpu.memref_slice %arg4[%add3A_19] : memref<320000xi32, #tpu.memory_space<hbm>> -> memref<80xi32, #tpu.memory_space<hbm>>
    tpu.enqueue_dma source(%dma_start3A_23 : memref<80xi32, #tpu.memory_space<hbm>>) target(%arg12 : memref<80xi32, #tpu.memory_space<vmem>>) target_semaphore(%arg29 : memref<!tpu.dma_semaphore, #tpu.memory_space<semaphore_mem>>)
    %barrier3A = arith.constant 0 : index
    tpu.barrier barrier_id(%barrier3A)
    %add3A_24 = arith.constant 0 : i32
    %add3A_25 = arith.addi %mul3A_2, %add3A_24 : i32
    %dma_wait3A = tpu.memref_slice %arg3[%add3A_25] : memref<320000xi32, #tpu.memory_space<hbm>> -> memref<80xi32, #tpu.memory_space<hbm>>
    %dma_wait3A_26 = tpu.memref_slice %arg3[%add3A_25] : memref<320000xi32, #tpu.memory_space<hbm>> -> memref<80xi32, #tpu.memory_space<hbm>>
    tpu.wait_dma2 semaphore(%arg27 : memref<!tpu.dma_semaphore, #tpu.memory_space<semaphore_mem>>) src(%dma_wait3A_26 : memref<80xi32, #tpu.memory_space<hbm>>) dst(%arg6 : memref<80xi32, #tpu.memory_space<vmem>>)
    %dma_wait3A_27 = tpu.memref_slice %arg4[%add3A_25] : memref<320000xi32, #tpu.memory_space<hbm>> -> memref<80xi32, #tpu.memory_space<hbm>>
    %dma_wait3A_28 = tpu.memref_slice %arg4[%add3A_25] : memref<320000xi32, #tpu.memory_space<hbm>> -> memref<80xi32, #tpu.memory_space<hbm>>
    tpu.wait_dma2 semaphore(%arg27 : memref<!tpu.dma_semaphore, #tpu.memory_space<semaphore_mem>>) src(%dma_wait3A_28 : memref<80xi32, #tpu.memory_space<hbm>>) dst(%arg10 : memref<80xi32, #tpu.memory_space<vmem>>)
    %dma_start3A_29 = arith.constant 0 : i32
    %dma_start3A_30 = arith.constant 0 : i32
    %dma_start3A_31 = tpu.memref_slice %arg2[%dma_start3A_29, %dma_start3A_30] : memref<10000x128xf32, #tpu.memory_space<hbm>> -> memref<10000x128xf32, #tpu.memory_space<hbm>>
    tpu.enqueue_indirect_dma source(%dma_start3A_31 : memref<10000x128xf32, #tpu.memory_space<hbm>>) target(%arg14 : memref<80x128xf32, #tpu.memory_space<vmem>>) offsets(%arg6 : memref<80xi32, #tpu.memory_space<vmem>>) semaphore(%arg19 : memref<!tpu.dma_semaphore, #tpu.memory_space<semaphore_mem>>)
    %add3A_32 = arith.constant 80 : i32
    %add3A_33 = arith.addi %mul3A_2, %add3A_32 : i32
    %dma_wait3A_34 = tpu.memref_slice %arg3[%add3A_33] : memref<320000xi32, #tpu.memory_space<hbm>> -> memref<80xi32, #tpu.memory_space<hbm>>
    %dma_wait3A_35 = tpu.memref_slice %arg3[%add3A_33] : memref<320000xi32, #tpu.memory_space<hbm>> -> memref<80xi32, #tpu.memory_space<hbm>>
    tpu.wait_dma2 semaphore(%arg28 : memref<!tpu.dma_semaphore, #tpu.memory_space<semaphore_mem>>) src(%dma_wait3A_35 : memref<80xi32, #tpu.memory_space<hbm>>) dst(%arg7 : memref<80xi32, #tpu.memory_space<vmem>>)
    %dma_wait3A_36 = tpu.memref_slice %arg4[%add3A_33] : memref<320000xi32, #tpu.memory_space<hbm>> -> memref<80xi32, #tpu.memory_space<hbm>>
    %dma_wait3A_37 = tpu.memref_slice %arg4[%add3A_33] : memref<320000xi32, #tpu.memory_space<hbm>> -> memref<80xi32, #tpu.memory_space<hbm>>
    tpu.wait_dma2 semaphore(%arg28 : memref<!tpu.dma_semaphore, #tpu.memory_space<semaphore_mem>>) src(%dma_wait3A_37 : memref<80xi32, #tpu.memory_space<hbm>>) dst(%arg11 : memref<80xi32, #tpu.memory_space<vmem>>)
    %dma_start3A_38 = arith.constant 0 : i32
    %dma_start3A_39 = arith.constant 0 : i32
    %dma_start3A_40 = tpu.memref_slice %arg2[%dma_start3A_38, %dma_start3A_39] : memref<10000x128xf32, #tpu.memory_space<hbm>> -> memref<10000x128xf32, #tpu.memory_space<hbm>>
    tpu.enqueue_indirect_dma source(%dma_start3A_40 : memref<10000x128xf32, #tpu.memory_space<hbm>>) target(%arg15 : memref<80x128xf32, #tpu.memory_space<vmem>>) offsets(%arg7 : memref<80xi32, #tpu.memory_space<vmem>>) semaphore(%arg20 : memref<!tpu.dma_semaphore, #tpu.memory_space<semaphore_mem>>)
    %dma_wait3A_41 = arith.constant 0 : i32
    %dma_wait3A_42 = arith.constant 0 : i32
    %dma_wait3A_43 = tpu.memref_slice %arg2[%dma_wait3A_41, %dma_wait3A_42] : memref<10000x128xf32, #tpu.memory_space<hbm>> -> memref<10000x128xf32, #tpu.memory_space<hbm>>
    tpu.wait_indirect_dma semaphore(%arg19 : memref<!tpu.dma_semaphore, #tpu.memory_space<semaphore_mem>>) src(%dma_wait3A_43 : memref<10000x128xf32, #tpu.memory_space<hbm>>) dst(%arg14 : memref<80x128xf32, #tpu.memory_space<vmem>>)
    %dma_start3A_44 = arith.constant 0 : i32
    %dma_start3A_45 = arith.constant 0 : i32
    %dma_start3A_46 = tpu.memref_slice %arg18[%dma_start3A_44, %dma_start3A_45] : memref<10000x128xf32, #tpu.memory_space<vmem_shared>> -> memref<10000x128xf32, #tpu.memory_space<vmem_shared>>
    tpu.enqueue_indirect_dma source(%arg14 : memref<80x128xf32, #tpu.memory_space<vmem>>) target(%dma_start3A_46 : memref<10000x128xf32, #tpu.memory_space<vmem_shared>>) offsets(%arg10 : memref<80xi32, #tpu.memory_space<vmem>>) semaphore(%arg23 : memref<!tpu.dma_semaphore, #tpu.memory_space<semaphore_mem>>) {add = true}
    %add3A_47 = arith.constant 160 : i32
    %add3A_48 = arith.addi %mul3A_2, %add3A_47 : i32
    %dma_wait3A_49 = tpu.memref_slice %arg3[%add3A_48] : memref<320000xi32, #tpu.memory_space<hbm>> -> memref<80xi32, #tpu.memory_space<hbm>>
    %dma_wait3A_50 = tpu.memref_slice %arg3[%add3A_48] : memref<320000xi32, #tpu.memory_space<hbm>> -> memref<80xi32, #tpu.memory_space<hbm>>
    tpu.wait_dma2 semaphore(%arg29 : memref<!tpu.dma_semaphore, #tpu.memory_space<semaphore_mem>>) src(%dma_wait3A_50 : memref<80xi32, #tpu.memory_space<hbm>>) dst(%arg8 : memref<80xi32, #tpu.memory_space<vmem>>)
    %dma_wait3A_51 = tpu.memref_slice %arg4[%add3A_48] : memref<320000xi32, #tpu.memory_space<hbm>> -> memref<80xi32, #tpu.memory_space<hbm>>
    %dma_wait3A_52 = tpu.memref_slice %arg4[%add3A_48] : memref<320000xi32, #tpu.memory_space<hbm>> -> memref<80xi32, #tpu.memory_space<hbm>>
    tpu.wait_dma2 semaphore(%arg29 : memref<!tpu.dma_semaphore, #tpu.memory_space<semaphore_mem>>) src(%dma_wait3A_52 : memref<80xi32, #tpu.memory_space<hbm>>) dst(%arg12 : memref<80xi32, #tpu.memory_space<vmem>>)
    %dma_start3A_53 = arith.constant 0 : i32
    %dma_start3A_54 = arith.constant 0 : i32
    %dma_start3A_55 = tpu.memref_slice %arg2[%dma_start3A_53, %dma_start3A_54] : memref<10000x128xf32, #tpu.memory_space<hbm>> -> memref<10000x128xf32, #tpu.memory_space<hbm>>
    tpu.enqueue_indirect_dma source(%dma_start3A_55 : memref<10000x128xf32, #tpu.memory_space<hbm>>) target(%arg16 : memref<80x128xf32, #tpu.memory_space<vmem>>) offsets(%arg8 : memref<80xi32, #tpu.memory_space<vmem>>) semaphore(%arg21 : memref<!tpu.dma_semaphore, #tpu.memory_space<semaphore_mem>>)
    %add3A_56 = arith.constant 240 : i32
    %add3A_57 = arith.addi %mul3A_2, %add3A_56 : i32
    %dma_start3A_58 = tpu.memref_slice %arg3[%add3A_57] : memref<320000xi32, #tpu.memory_space<hbm>> -> memref<80xi32, #tpu.memory_space<hbm>>
    %dma_start3A_59 = tpu.memref_slice %arg3[%add3A_57] : memref<320000xi32, #tpu.memory_space<hbm>> -> memref<80xi32, #tpu.memory_space<hbm>>
    tpu.enqueue_dma source(%dma_start3A_59 : memref<80xi32, #tpu.memory_space<hbm>>) target(%arg9 : memref<80xi32, #tpu.memory_space<vmem>>) target_semaphore(%arg30 : memref<!tpu.dma_semaphore, #tpu.memory_space<semaphore_mem>>)
    %dma_start3A_60 = tpu.memref_slice %arg4[%add3A_57] : memref<320000xi32, #tpu.memory_space<hbm>> -> memref<80xi32, #tpu.memory_space<hbm>>
    %dma_start3A_61 = tpu.memref_slice %arg4[%add3A_57] : memref<320000xi32, #tpu.memory_space<hbm>> -> memref<80xi32, #tpu.memory_space<hbm>>
    tpu.enqueue_dma source(%dma_start3A_61 : memref<80xi32, #tpu.memory_space<hbm>>) target(%arg13 : memref<80xi32, #tpu.memory_space<vmem>>) target_semaphore(%arg30 : memref<!tpu.dma_semaphore, #tpu.memory_space<semaphore_mem>>)
    %dma_wait3A_62 = arith.constant 0 : i32
    %dma_wait3A_63 = arith.constant 0 : i32
    %dma_wait3A_64 = tpu.memref_slice %arg2[%dma_wait3A_62, %dma_wait3A_63] : memref<10000x128xf32, #tpu.memory_space<hbm>> -> memref<10000x128xf32, #tpu.memory_space<hbm>>
    tpu.wait_indirect_dma semaphore(%arg20 : memref<!tpu.dma_semaphore, #tpu.memory_space<semaphore_mem>>) src(%dma_wait3A_64 : memref<10000x128xf32, #tpu.memory_space<hbm>>) dst(%arg15 : memref<80x128xf32, #tpu.memory_space<vmem>>)
    %dma_start3A_65 = arith.constant 0 : i32
    %dma_start3A_66 = arith.constant 0 : i32
    %dma_start3A_67 = tpu.memref_slice %arg18[%dma_start3A_65, %dma_start3A_66] : memref<10000x128xf32, #tpu.memory_space<vmem_shared>> -> memref<10000x128xf32, #tpu.memory_space<vmem_shared>>
    tpu.enqueue_indirect_dma source(%arg15 : memref<80x128xf32, #tpu.memory_space<vmem>>) target(%dma_start3A_67 : memref<10000x128xf32, #tpu.memory_space<vmem_shared>>) offsets(%arg11 : memref<80xi32, #tpu.memory_space<vmem>>) semaphore(%arg24 : memref<!tpu.dma_semaphore, #tpu.memory_space<semaphore_mem>>) {add = true}
    %dma_wait3A_68 = arith.constant 0 : i32
    %dma_wait3A_69 = arith.constant 0 : i32
    %dma_wait3A_70 = tpu.memref_slice %arg18[%dma_wait3A_68, %dma_wait3A_69] : memref<10000x128xf32, #tpu.memory_space<vmem_shared>> -> memref<10000x128xf32, #tpu.memory_space<vmem_shared>>
    tpu.wait_indirect_dma semaphore(%arg23 : memref<!tpu.dma_semaphore, #tpu.memory_space<semaphore_mem>>) src(%arg14 : memref<80x128xf32, #tpu.memory_space<vmem>>) dst(%dma_wait3A_70 : memref<10000x128xf32, #tpu.memory_space<vmem_shared>>)
    %add3A_71 = arith.constant 240 : i32
    %add3A_72 = arith.addi %mul3A_2, %add3A_71 : i32
    %dma_wait3A_73 = tpu.memref_slice %arg3[%add3A_72] : memref<320000xi32, #tpu.memory_space<hbm>> -> memref<80xi32, #tpu.memory_space<hbm>>
    %dma_wait3A_74 = tpu.memref_slice %arg3[%add3A_72] : memref<320000xi32, #tpu.memory_space<hbm>> -> memref<80xi32, #tpu.memory_space<hbm>>
    tpu.wait_dma2 semaphore(%arg30 : memref<!tpu.dma_semaphore, #tpu.memory_space<semaphore_mem>>) src(%dma_wait3A_74 : memref<80xi32, #tpu.memory_space<hbm>>) dst(%arg9 : memref<80xi32, #tpu.memory_space<vmem>>)
    %dma_wait3A_75 = tpu.memref_slice %arg4[%add3A_72] : memref<320000xi32, #tpu.memory_space<hbm>> -> memref<80xi32, #tpu.memory_space<hbm>>
    %dma_wait3A_76 = tpu.memref_slice %arg4[%add3A_72] : memref<320000xi32, #tpu.memory_space<hbm>> -> memref<80xi32, #tpu.memory_space<hbm>>
    tpu.wait_dma2 semaphore(%arg30 : memref<!tpu.dma_semaphore, #tpu.memory_space<semaphore_mem>>) src(%dma_wait3A_76 : memref<80xi32, #tpu.memory_space<hbm>>) dst(%arg13 : memref<80xi32, #tpu.memory_space<vmem>>)
    %dma_start3A_77 = arith.constant 0 : i32
    %dma_start3A_78 = arith.constant 0 : i32
    %dma_start3A_79 = tpu.memref_slice %arg2[%dma_start3A_77, %dma_start3A_78] : memref<10000x128xf32, #tpu.memory_space<hbm>> -> memref<10000x128xf32, #tpu.memory_space<hbm>>
    tpu.enqueue_indirect_dma source(%dma_start3A_79 : memref<10000x128xf32, #tpu.memory_space<hbm>>) target(%arg17 : memref<80x128xf32, #tpu.memory_space<vmem>>) offsets(%arg9 : memref<80xi32, #tpu.memory_space<vmem>>) semaphore(%arg22 : memref<!tpu.dma_semaphore, #tpu.memory_space<semaphore_mem>>)
    %add3A_80 = arith.constant 320 : i32
    %add3A_81 = arith.addi %mul3A_2, %add3A_80 : i32
    %dma_start3A_82 = tpu.memref_slice %arg3[%add3A_81] : memref<320000xi32, #tpu.memory_space<hbm>> -> memref<80xi32, #tpu.memory_space<hbm>>
    %dma_start3A_83 = tpu.memref_slice %arg3[%add3A_81] : memref<320000xi32, #tpu.memory_space<hbm>> -> memref<80xi32, #tpu.memory_space<hbm>>
    tpu.enqueue_dma source(%dma_start3A_83 : memref<80xi32, #tpu.memory_space<hbm>>) target(%arg6 : memref<80xi32, #tpu.memory_space<vmem>>) target_semaphore(%arg27 : memref<!tpu.dma_semaphore, #tpu.memory_space<semaphore_mem>>)
    %dma_start3A_84 = tpu.memref_slice %arg4[%add3A_81] : memref<320000xi32, #tpu.memory_space<hbm>> -> memref<80xi32, #tpu.memory_space<hbm>>
    %dma_start3A_85 = tpu.memref_slice %arg4[%add3A_81] : memref<320000xi32, #tpu.memory_space<hbm>> -> memref<80xi32, #tpu.memory_space<hbm>>
    tpu.enqueue_dma source(%dma_start3A_85 : memref<80xi32, #tpu.memory_space<hbm>>) target(%arg10 : memref<80xi32, #tpu.memory_space<vmem>>) target_semaphore(%arg27 : memref<!tpu.dma_semaphore, #tpu.memory_space<semaphore_mem>>)
    %dma_wait3A_86 = arith.constant 0 : i32
    %dma_wait3A_87 = arith.constant 0 : i32
    %dma_wait3A_88 = tpu.memref_slice %arg2[%dma_wait3A_86, %dma_wait3A_87] : memref<10000x128xf32, #tpu.memory_space<hbm>> -> memref<10000x128xf32, #tpu.memory_space<hbm>>
    tpu.wait_indirect_dma semaphore(%arg21 : memref<!tpu.dma_semaphore, #tpu.memory_space<semaphore_mem>>) src(%dma_wait3A_88 : memref<10000x128xf32, #tpu.memory_space<hbm>>) dst(%arg16 : memref<80x128xf32, #tpu.memory_space<vmem>>)
    %dma_start3A_89 = arith.constant 0 : i32
    %dma_start3A_90 = arith.constant 0 : i32
    %dma_start3A_91 = tpu.memref_slice %arg18[%dma_start3A_89, %dma_start3A_90] : memref<10000x128xf32, #tpu.memory_space<vmem_shared>> -> memref<10000x128xf32, #tpu.memory_space<vmem_shared>>
    tpu.enqueue_indirect_dma source(%arg16 : memref<80x128xf32, #tpu.memory_space<vmem>>) target(%dma_start3A_91 : memref<10000x128xf32, #tpu.memory_space<vmem_shared>>) offsets(%arg12 : memref<80xi32, #tpu.memory_space<vmem>>) semaphore(%arg25 : memref<!tpu.dma_semaphore, #tpu.memory_space<semaphore_mem>>) {add = true}
    %dma_wait3A_92 = arith.constant 0 : i32
    %dma_wait3A_93 = arith.constant 0 : i32
    %dma_wait3A_94 = tpu.memref_slice %arg18[%dma_wait3A_92, %dma_wait3A_93] : memref<10000x128xf32, #tpu.memory_space<vmem_shared>> -> memref<10000x128xf32, #tpu.memory_space<vmem_shared>>
    tpu.wait_indirect_dma semaphore(%arg24 : memref<!tpu.dma_semaphore, #tpu.memory_space<semaphore_mem>>) src(%arg15 : memref<80x128xf32, #tpu.memory_space<vmem>>) dst(%dma_wait3A_94 : memref<10000x128xf32, #tpu.memory_space<vmem_shared>>)
    %add3A_95 = arith.constant 320 : i32
    %add3A_96 = arith.addi %mul3A_2, %add3A_95 : i32
    %dma_wait3A_97 = tpu.memref_slice %arg3[%add3A_96] : memref<320000xi32, #tpu.memory_space<hbm>> -> memref<80xi32, #tpu.memory_space<hbm>>
    %dma_wait3A_98 = tpu.memref_slice %arg3[%add3A_96] : memref<320000xi32, #tpu.memory_space<hbm>> -> memref<80xi32, #tpu.memory_space<hbm>>
    tpu.wait_dma2 semaphore(%arg27 : memref<!tpu.dma_semaphore, #tpu.memory_space<semaphore_mem>>) src(%dma_wait3A_98 : memref<80xi32, #tpu.memory_space<hbm>>) dst(%arg6 : memref<80xi32, #tpu.memory_space<vmem>>)
    %dma_wait3A_99 = tpu.memref_slice %arg4[%add3A_96] : memref<320000xi32, #tpu.memory_space<hbm>> -> memref<80xi32, #tpu.memory_space<hbm>>
    %dma_wait3A_100 = tpu.memref_slice %arg4[%add3A_96] : memref<320000xi32, #tpu.memory_space<hbm>> -> memref<80xi32, #tpu.memory_space<hbm>>
    tpu.wait_dma2 semaphore(%arg27 : memref<!tpu.dma_semaphore, #tpu.memory_space<semaphore_mem>>) src(%dma_wait3A_100 : memref<80xi32, #tpu.memory_space<hbm>>) dst(%arg10 : memref<80xi32, #tpu.memory_space<vmem>>)
    %dma_start3A_101 = arith.constant 0 : i32
    %dma_start3A_102 = arith.constant 0 : i32
    %dma_start3A_103 = tpu.memref_slice %arg2[%dma_start3A_101, %dma_start3A_102] : memref<10000x128xf32, #tpu.memory_space<hbm>> -> memref<10000x128xf32, #tpu.memory_space<hbm>>
    tpu.enqueue_indirect_dma source(%dma_start3A_103 : memref<10000x128xf32, #tpu.memory_space<hbm>>) target(%arg14 : memref<80x128xf32, #tpu.memory_space<vmem>>) offsets(%arg6 : memref<80xi32, #tpu.memory_space<vmem>>) semaphore(%arg19 : memref<!tpu.dma_semaphore, #tpu.memory_space<semaphore_mem>>)
    %add3A_104 = arith.constant 400 : i32
    %add3A_105 = arith.addi %mul3A_2, %add3A_104 : i32
    %dma_start3A_106 = tpu.memref_slice %arg3[%add3A_105] : memref<320000xi32, #tpu.memory_space<hbm>> -> memref<80xi32, #tpu.memory_space<hbm>>
    %dma_start3A_107 = tpu.memref_slice %arg3[%add3A_105] : memref<320000xi32, #tpu.memory_space<hbm>> -> memref<80xi32, #tpu.memory_space<hbm>>
    tpu.enqueue_dma source(%dma_start3A_107 : memref<80xi32, #tpu.memory_space<hbm>>) target(%arg7 : memref<80xi32, #tpu.memory_space<vmem>>) target_semaphore(%arg28 : memref<!tpu.dma_semaphore, #tpu.memory_space<semaphore_mem>>)
    %dma_start3A_108 = tpu.memref_slice %arg4[%add3A_105] : memref<320000xi32, #tpu.memory_space<hbm>> -> memref<80xi32, #tpu.memory_space<hbm>>
    %dma_start3A_109 = tpu.memref_slice %arg4[%add3A_105] : memref<320000xi32, #tpu.memory_space<hbm>> -> memref<80xi32, #tpu.memory_space<hbm>>
    tpu.enqueue_dma source(%dma_start3A_109 : memref<80xi32, #tpu.memory_space<hbm>>) target(%arg11 : memref<80xi32, #tpu.memory_space<vmem>>) target_semaphore(%arg28 : memref<!tpu.dma_semaphore, #tpu.memory_space<semaphore_mem>>)
    %dma_wait3A_110 = arith.constant 0 : i32
    %dma_wait3A_111 = arith.constant 0 : i32
    %dma_wait3A_112 = tpu.memref_slice %arg2[%dma_wait3A_110, %dma_wait3A_111] : memref<10000x128xf32, #tpu.memory_space<hbm>> -> memref<10000x128xf32, #tpu.memory_space<hbm>>
    tpu.wait_indirect_dma semaphore(%arg22 : memref<!tpu.dma_semaphore, #tpu.memory_space<semaphore_mem>>) src(%dma_wait3A_112 : memref<10000x128xf32, #tpu.memory_space<hbm>>) dst(%arg17 : memref<80x128xf32, #tpu.memory_space<vmem>>)
    %dma_start3A_113 = arith.constant 0 : i32
    %dma_start3A_114 = arith.constant 0 : i32
    %dma_start3A_115 = tpu.memref_slice %arg18[%dma_start3A_113, %dma_start3A_114] : memref<10000x128xf32, #tpu.memory_space<vmem_shared>> -> memref<10000x128xf32, #tpu.memory_space<vmem_shared>>
    tpu.enqueue_indirect_dma source(%arg17 : memref<80x128xf32, #tpu.memory_space<vmem>>) target(%dma_start3A_115 : memref<10000x128xf32, #tpu.memory_space<vmem_shared>>) offsets(%arg13 : memref<80xi32, #tpu.memory_space<vmem>>) semaphore(%arg26 : memref<!tpu.dma_semaphore, #tpu.memory_space<semaphore_mem>>) {add = true}
    %dma_wait3A_116 = arith.constant 0 : i32
    %dma_wait3A_117 = arith.constant 0 : i32
    %dma_wait3A_118 = tpu.memref_slice %arg18[%dma_wait3A_116, %dma_wait3A_117] : memref<10000x128xf32, #tpu.memory_space<vmem_shared>> -> memref<10000x128xf32, #tpu.memory_space<vmem_shared>>
    tpu.wait_indirect_dma semaphore(%arg25 : memref<!tpu.dma_semaphore, #tpu.memory_space<semaphore_mem>>) src(%arg16 : memref<80x128xf32, #tpu.memory_space<vmem>>) dst(%dma_wait3A_118 : memref<10000x128xf32, #tpu.memory_space<vmem_shared>>)
    %add3A_119 = arith.constant 400 : i32
    %add3A_120 = arith.addi %mul3A_2, %add3A_119 : i32
    %dma_wait3A_121 = tpu.memref_slice %arg3[%add3A_120] : memref<320000xi32, #tpu.memory_space<hbm>> -> memref<80xi32, #tpu.memory_space<hbm>>
    %dma_wait3A_122 = tpu.memref_slice %arg3[%add3A_120] : memref<320000xi32, #tpu.memory_space<hbm>> -> memref<80xi32, #tpu.memory_space<hbm>>
    tpu.wait_dma2 semaphore(%arg28 : memref<!tpu.dma_semaphore, #tpu.memory_space<semaphore_mem>>) src(%dma_wait3A_122 : memref<80xi32, #tpu.memory_space<hbm>>) dst(%arg7 : memref<80xi32, #tpu.memory_space<vmem>>)
    %dma_wait3A_123 = tpu.memref_slice %arg4[%add3A_120] : memref<320000xi32, #tpu.memory_space<hbm>> -> memref<80xi32, #tpu.memory_space<hbm>>
    %dma_wait3A_124 = tpu.memref_slice %arg4[%add3A_120] : memref<320000xi32, #tpu.memory_space<hbm>> -> memref<80xi32, #tpu.memory_space<hbm>>
    tpu.wait_dma2 semaphore(%arg28 : memref<!tpu.dma_semaphore, #tpu.memory_space<semaphore_mem>>) src(%dma_wait3A_124 : memref<80xi32, #tpu.memory_space<hbm>>) dst(%arg11 : memref<80xi32, #tpu.memory_space<vmem>>)
    %dma_start3A_125 = arith.constant 0 : i32
    %dma_start3A_126 = arith.constant 0 : i32
    %dma_start3A_127 = tpu.memref_slice %arg2[%dma_start3A_125, %dma_start3A_126] : memref<10000x128xf32, #tpu.memory_space<hbm>> -> memref<10000x128xf32, #tpu.memory_space<hbm>>
    tpu.enqueue_indirect_dma source(%dma_start3A_127 : memref<10000x128xf32, #tpu.memory_space<hbm>>) target(%arg15 : memref<80x128xf32, #tpu.memory_space<vmem>>) offsets(%arg7 : memref<80xi32, #tpu.memory_space<vmem>>) semaphore(%arg20 : memref<!tpu.dma_semaphore, #tpu.memory_space<semaphore_mem>>)
    %add3A_128 = arith.constant 480 : i32
    %add3A_129 = arith.addi %mul3A_2, %add3A_128 : i32
    %dma_start3A_130 = tpu.memref_slice %arg3[%add3A_129] : memref<320000xi32, #tpu.memory_space<hbm>> -> memref<80xi32, #tpu.memory_space<hbm>>
    %dma_start3A_131 = tpu.memref_slice %arg3[%add3A_129] : memref<320000xi32, #tpu.memory_space<hbm>> -> memref<80xi32, #tpu.memory_space<hbm>>
    tpu.enqueue_dma source(%dma_start3A_131 : memref<80xi32, #tpu.memory_space<hbm>>) target(%arg8 : memref<80xi32, #tpu.memory_space<vmem>>) target_semaphore(%arg29 : memref<!tpu.dma_semaphore, #tpu.memory_space<semaphore_mem>>)
    %dma_start3A_132 = tpu.memref_slice %arg4[%add3A_129] : memref<320000xi32, #tpu.memory_space<hbm>> -> memref<80xi32, #tpu.memory_space<hbm>>
    %dma_start3A_133 = tpu.memref_slice %arg4[%add3A_129] : memref<320000xi32, #tpu.memory_space<hbm>> -> memref<80xi32, #tpu.memory_space<hbm>>
    tpu.enqueue_dma source(%dma_start3A_133 : memref<80xi32, #tpu.memory_space<hbm>>) target(%arg12 : memref<80xi32, #tpu.memory_space<vmem>>) target_semaphore(%arg29 : memref<!tpu.dma_semaphore, #tpu.memory_space<semaphore_mem>>)
    %scan3A = arith.constant 0 : i32
    %scan3A_134 = arith.constant 30 : i32
    %scan3A_135 = arith.addi %scan3A, %scan3A_134 : i32
    %scan3A_136 = arith.constant 1 : i32
    scf.for %scan3A_158 = %scan3A to %scan3A_135 step %scan3A_136  : i32 {
      %mul3A_159 = arith.constant 1 : i32
      %mul3A_160 = arith.muli %scan3A_158, %mul3A_159 : i32
      %add3A_161 = arith.constant 1 : i32
      %add3A_162 = arith.addi %add3A_161, %mul3A_160 : i32
      %mul3A_163 = arith.constant 4 : i32
      %mul3A_164 = arith.muli %mul3A_163, %add3A_162 : i32
      %dma_wait3A_165 = arith.constant 0 : i32
      %dma_wait3A_166 = arith.constant 0 : i32
      %dma_wait3A_167 = tpu.memref_slice %arg2[%dma_wait3A_165, %dma_wait3A_166] : memref<10000x128xf32, #tpu.memory_space<hbm>> -> memref<10000x128xf32, #tpu.memory_space<hbm>>
      tpu.wait_indirect_dma semaphore(%arg19 : memref<!tpu.dma_semaphore, #tpu.memory_space<semaphore_mem>>) src(%dma_wait3A_167 : memref<10000x128xf32, #tpu.memory_space<hbm>>) dst(%arg14 : memref<80x128xf32, #tpu.memory_space<vmem>>)
      %dma_start3A_168 = arith.constant 0 : i32
      %dma_start3A_169 = arith.constant 0 : i32
      %dma_start3A_170 = tpu.memref_slice %arg18[%dma_start3A_168, %dma_start3A_169] : memref<10000x128xf32, #tpu.memory_space<vmem_shared>> -> memref<10000x128xf32, #tpu.memory_space<vmem_shared>>
      tpu.enqueue_indirect_dma source(%arg14 : memref<80x128xf32, #tpu.memory_space<vmem>>) target(%dma_start3A_170 : memref<10000x128xf32, #tpu.memory_space<vmem_shared>>) offsets(%arg10 : memref<80xi32, #tpu.memory_space<vmem>>) semaphore(%arg23 : memref<!tpu.dma_semaphore, #tpu.memory_space<semaphore_mem>>) {add = true}
      %dma_wait3A_171 = arith.constant 0 : i32
      %dma_wait3A_172 = arith.constant 0 : i32
      %dma_wait3A_173 = tpu.memref_slice %arg18[%dma_wait3A_171, %dma_wait3A_172] : memref<10000x128xf32, #tpu.memory_space<vmem_shared>> -> memref<10000x128xf32, #tpu.memory_space<vmem_shared>>
      tpu.wait_indirect_dma semaphore(%arg26 : memref<!tpu.dma_semaphore, #tpu.memory_space<semaphore_mem>>) src(%arg17 : memref<80x128xf32, #tpu.memory_space<vmem>>) dst(%dma_wait3A_173 : memref<10000x128xf32, #tpu.memory_space<vmem_shared>>)
      %add3A_174 = arith.constant 2 : i32
      %add3A_175 = arith.addi %mul3A_164, %add3A_174 : i32
      %mul3A_176 = arith.constant 80 : i32
      %mul3A_177 = arith.muli %add3A_175, %mul3A_176 : i32
      %add3A_178 = arith.addi %mul3A_2, %mul3A_177 : i32
      %dma_wait3A_179 = tpu.memref_slice %arg3[%add3A_178] : memref<320000xi32, #tpu.memory_space<hbm>> -> memref<80xi32, #tpu.memory_space<hbm>>
      %dma_wait3A_180 = tpu.memref_slice %arg3[%add3A_178] : memref<320000xi32, #tpu.memory_space<hbm>> -> memref<80xi32, #tpu.memory_space<hbm>>
      tpu.wait_dma2 semaphore(%arg29 : memref<!tpu.dma_semaphore, #tpu.memory_space<semaphore_mem>>) src(%dma_wait3A_180 : memref<80xi32, #tpu.memory_space<hbm>>) dst(%arg8 : memref<80xi32, #tpu.memory_space<vmem>>)
      %dma_wait3A_181 = tpu.memref_slice %arg4[%add3A_178] : memref<320000xi32, #tpu.memory_space<hbm>> -> memref<80xi32, #tpu.memory_space<hbm>>
      %dma_wait3A_182 = tpu.memref_slice %arg4[%add3A_178] : memref<320000xi32, #tpu.memory_space<hbm>> -> memref<80xi32, #tpu.memory_space<hbm>>
      tpu.wait_dma2 semaphore(%arg29 : memref<!tpu.dma_semaphore, #tpu.memory_space<semaphore_mem>>) src(%dma_wait3A_182 : memref<80xi32, #tpu.memory_space<hbm>>) dst(%arg12 : memref<80xi32, #tpu.memory_space<vmem>>)
      %dma_start3A_183 = arith.constant 0 : i32
      %dma_start3A_184 = arith.constant 0 : i32
      %dma_start3A_185 = tpu.memref_slice %arg2[%dma_start3A_183, %dma_start3A_184] : memref<10000x128xf32, #tpu.memory_space<hbm>> -> memref<10000x128xf32, #tpu.memory_space<hbm>>
      tpu.enqueue_indirect_dma source(%dma_start3A_185 : memref<10000x128xf32, #tpu.memory_space<hbm>>) target(%arg16 : memref<80x128xf32, #tpu.memory_space<vmem>>) offsets(%arg8 : memref<80xi32, #tpu.memory_space<vmem>>) semaphore(%arg21 : memref<!tpu.dma_semaphore, #tpu.memory_space<semaphore_mem>>)
      %add3A_186 = arith.constant 3 : i32
      %add3A_187 = arith.addi %mul3A_164, %add3A_186 : i32
      %mul3A_188 = arith.constant 80 : i32
      %mul3A_189 = arith.muli %add3A_187, %mul3A_188 : i32
      %add3A_190 = arith.addi %mul3A_2, %mul3A_189 : i32
      %dma_start3A_191 = tpu.memref_slice %arg3[%add3A_190] : memref<320000xi32, #tpu.memory_space<hbm>> -> memref<80xi32, #tpu.memory_space<hbm>>
      %dma_start3A_192 = tpu.memref_slice %arg3[%add3A_190] : memref<320000xi32, #tpu.memory_space<hbm>> -> memref<80xi32, #tpu.memory_space<hbm>>
      tpu.enqueue_dma source(%dma_start3A_192 : memref<80xi32, #tpu.memory_space<hbm>>) target(%arg9 : memref<80xi32, #tpu.memory_space<vmem>>) target_semaphore(%arg30 : memref<!tpu.dma_semaphore, #tpu.memory_space<semaphore_mem>>)
      %dma_start3A_193 = tpu.memref_slice %arg4[%add3A_190] : memref<320000xi32, #tpu.memory_space<hbm>> -> memref<80xi32, #tpu.memory_space<hbm>>
      %dma_start3A_194 = tpu.memref_slice %arg4[%add3A_190] : memref<320000xi32, #tpu.memory_space<hbm>> -> memref<80xi32, #tpu.memory_space<hbm>>
      tpu.enqueue_dma source(%dma_start3A_194 : memref<80xi32, #tpu.memory_space<hbm>>) target(%arg13 : memref<80xi32, #tpu.memory_space<vmem>>) target_semaphore(%arg30 : memref<!tpu.dma_semaphore, #tpu.memory_space<semaphore_mem>>)
      %add3A_195 = arith.constant 1 : i32
      %add3A_196 = arith.addi %mul3A_164, %add3A_195 : i32
      %dma_wait3A_197 = arith.constant 0 : i32
      %dma_wait3A_198 = arith.constant 0 : i32
      %dma_wait3A_199 = tpu.memref_slice %arg2[%dma_wait3A_197, %dma_wait3A_198] : memref<10000x128xf32, #tpu.memory_space<hbm>> -> memref<10000x128xf32, #tpu.memory_space<hbm>>
      tpu.wait_indirect_dma semaphore(%arg20 : memref<!tpu.dma_semaphore, #tpu.memory_space<semaphore_mem>>) src(%dma_wait3A_199 : memref<10000x128xf32, #tpu.memory_space<hbm>>) dst(%arg15 : memref<80x128xf32, #tpu.memory_space<vmem>>)
      %dma_start3A_200 = arith.constant 0 : i32
      %dma_start3A_201 = arith.constant 0 : i32
      %dma_start3A_202 = tpu.memref_slice %arg18[%dma_start3A_200, %dma_start3A_201] : memref<10000x128xf32, #tpu.memory_space<vmem_shared>> -> memref<10000x128xf32, #tpu.memory_space<vmem_shared>>
      tpu.enqueue_indirect_dma source(%arg15 : memref<80x128xf32, #tpu.memory_space<vmem>>) target(%dma_start3A_202 : memref<10000x128xf32, #tpu.memory_space<vmem_shared>>) offsets(%arg11 : memref<80xi32, #tpu.memory_space<vmem>>) semaphore(%arg24 : memref<!tpu.dma_semaphore, #tpu.memory_space<semaphore_mem>>) {add = true}
      %dma_wait3A_203 = arith.constant 0 : i32
      %dma_wait3A_204 = arith.constant 0 : i32
      %dma_wait3A_205 = tpu.memref_slice %arg18[%dma_wait3A_203, %dma_wait3A_204] : memref<10000x128xf32, #tpu.memory_space<vmem_shared>> -> memref<10000x128xf32, #tpu.memory_space<vmem_shared>>
      tpu.wait_indirect_dma semaphore(%arg23 : memref<!tpu.dma_semaphore, #tpu.memory_space<semaphore_mem>>) src(%arg14 : memref<80x128xf32, #tpu.memory_space<vmem>>) dst(%dma_wait3A_205 : memref<10000x128xf32, #tpu.memory_space<vmem_shared>>)
      %add3A_206 = arith.constant 2 : i32
      %add3A_207 = arith.addi %add3A_196, %add3A_206 : i32
      %mul3A_208 = arith.constant 80 : i32
      %mul3A_209 = arith.muli %add3A_207, %mul3A_208 : i32
      %add3A_210 = arith.addi %mul3A_2, %mul3A_209 : i32
      %dma_wait3A_211 = tpu.memref_slice %arg3[%add3A_210] : memref<320000xi32, #tpu.memory_space<hbm>> -> memref<80xi32, #tpu.memory_space<hbm>>
      %dma_wait3A_212 = tpu.memref_slice %arg3[%add3A_210] : memref<320000xi32, #tpu.memory_space<hbm>> -> memref<80xi32, #tpu.memory_space<hbm>>
      tpu.wait_dma2 semaphore(%arg30 : memref<!tpu.dma_semaphore, #tpu.memory_space<semaphore_mem>>) src(%dma_wait3A_212 : memref<80xi32, #tpu.memory_space<hbm>>) dst(%arg9 : memref<80xi32, #tpu.memory_space<vmem>>)
      %dma_wait3A_213 = tpu.memref_slice %arg4[%add3A_210] : memref<320000xi32, #tpu.memory_space<hbm>> -> memref<80xi32, #tpu.memory_space<hbm>>
      %dma_wait3A_214 = tpu.memref_slice %arg4[%add3A_210] : memref<320000xi32, #tpu.memory_space<hbm>> -> memref<80xi32, #tpu.memory_space<hbm>>
      tpu.wait_dma2 semaphore(%arg30 : memref<!tpu.dma_semaphore, #tpu.memory_space<semaphore_mem>>) src(%dma_wait3A_214 : memref<80xi32, #tpu.memory_space<hbm>>) dst(%arg13 : memref<80xi32, #tpu.memory_space<vmem>>)
      %dma_start3A_215 = arith.constant 0 : i32
      %dma_start3A_216 = arith.constant 0 : i32
      %dma_start3A_217 = tpu.memref_slice %arg2[%dma_start3A_215, %dma_start3A_216] : memref<10000x128xf32, #tpu.memory_space<hbm>> -> memref<10000x128xf32, #tpu.memory_space<hbm>>
      tpu.enqueue_indirect_dma source(%dma_start3A_217 : memref<10000x128xf32, #tpu.memory_space<hbm>>) target(%arg17 : memref<80x128xf32, #tpu.memory_space<vmem>>) offsets(%arg9 : memref<80xi32, #tpu.memory_space<vmem>>) semaphore(%arg22 : memref<!tpu.dma_semaphore, #tpu.memory_space<semaphore_mem>>)
      %add3A_218 = arith.constant 3 : i32
      %add3A_219 = arith.addi %add3A_196, %add3A_218 : i32
      %mul3A_220 = arith.constant 80 : i32
      %mul3A_221 = arith.muli %add3A_219, %mul3A_220 : i32
      %add3A_222 = arith.addi %mul3A_2, %mul3A_221 : i32
      %dma_start3A_223 = tpu.memref_slice %arg3[%add3A_222] : memref<320000xi32, #tpu.memory_space<hbm>> -> memref<80xi32, #tpu.memory_space<hbm>>
      %dma_start3A_224 = tpu.memref_slice %arg3[%add3A_222] : memref<320000xi32, #tpu.memory_space<hbm>> -> memref<80xi32, #tpu.memory_space<hbm>>
      tpu.enqueue_dma source(%dma_start3A_224 : memref<80xi32, #tpu.memory_space<hbm>>) target(%arg6 : memref<80xi32, #tpu.memory_space<vmem>>) target_semaphore(%arg27 : memref<!tpu.dma_semaphore, #tpu.memory_space<semaphore_mem>>)
      %dma_start3A_225 = tpu.memref_slice %arg4[%add3A_222] : memref<320000xi32, #tpu.memory_space<hbm>> -> memref<80xi32, #tpu.memory_space<hbm>>
      %dma_start3A_226 = tpu.memref_slice %arg4[%add3A_222] : memref<320000xi32, #tpu.memory_space<hbm>> -> memref<80xi32, #tpu.memory_space<hbm>>
      tpu.enqueue_dma source(%dma_start3A_226 : memref<80xi32, #tpu.memory_space<hbm>>) target(%arg10 : memref<80xi32, #tpu.memory_space<vmem>>) target_semaphore(%arg27 : memref<!tpu.dma_semaphore, #tpu.memory_space<semaphore_mem>>)
      %add3A_227 = arith.constant 2 : i32
      %add3A_228 = arith.addi %mul3A_164, %add3A_227 : i32
      %dma_wait3A_229 = arith.constant 0 : i32
      %dma_wait3A_230 = arith.constant 0 : i32
      %dma_wait3A_231 = tpu.memref_slice %arg2[%dma_wait3A_229, %dma_wait3A_230] : memref<10000x128xf32, #tpu.memory_space<hbm>> -> memref<10000x128xf32, #tpu.memory_space<hbm>>
      tpu.wait_indirect_dma semaphore(%arg21 : memref<!tpu.dma_semaphore, #tpu.memory_space<semaphore_mem>>) src(%dma_wait3A_231 : memref<10000x128xf32, #tpu.memory_space<hbm>>) dst(%arg16 : memref<80x128xf32, #tpu.memory_space<vmem>>)
      %dma_start3A_232 = arith.constant 0 : i32
      %dma_start3A_233 = arith.constant 0 : i32
      %dma_start3A_234 = tpu.memref_slice %arg18[%dma_start3A_232, %dma_start3A_233] : memref<10000x128xf32, #tpu.memory_space<vmem_shared>> -> memref<10000x128xf32, #tpu.memory_space<vmem_shared>>
      tpu.enqueue_indirect_dma source(%arg16 : memref<80x128xf32, #tpu.memory_space<vmem>>) target(%dma_start3A_234 : memref<10000x128xf32, #tpu.memory_space<vmem_shared>>) offsets(%arg12 : memref<80xi32, #tpu.memory_space<vmem>>) semaphore(%arg25 : memref<!tpu.dma_semaphore, #tpu.memory_space<semaphore_mem>>) {add = true}
      %dma_wait3A_235 = arith.constant 0 : i32
      %dma_wait3A_236 = arith.constant 0 : i32
      %dma_wait3A_237 = tpu.memref_slice %arg18[%dma_wait3A_235, %dma_wait3A_236] : memref<10000x128xf32, #tpu.memory_space<vmem_shared>> -> memref<10000x128xf32, #tpu.memory_space<vmem_shared>>
      tpu.wait_indirect_dma semaphore(%arg24 : memref<!tpu.dma_semaphore, #tpu.memory_space<semaphore_mem>>) src(%arg15 : memref<80x128xf32, #tpu.memory_space<vmem>>) dst(%dma_wait3A_237 : memref<10000x128xf32, #tpu.memory_space<vmem_shared>>)
      %add3A_238 = arith.constant 2 : i32
      %add3A_239 = arith.addi %add3A_228, %add3A_238 : i32
      %mul3A_240 = arith.constant 80 : i32
      %mul3A_241 = arith.muli %add3A_239, %mul3A_240 : i32
      %add3A_242 = arith.addi %mul3A_2, %mul3A_241 : i32
      %dma_wait3A_243 = tpu.memref_slice %arg3[%add3A_242] : memref<320000xi32, #tpu.memory_space<hbm>> -> memref<80xi32, #tpu.memory_space<hbm>>
      %dma_wait3A_244 = tpu.memref_slice %arg3[%add3A_242] : memref<320000xi32, #tpu.memory_space<hbm>> -> memref<80xi32, #tpu.memory_space<hbm>>
      tpu.wait_dma2 semaphore(%arg27 : memref<!tpu.dma_semaphore, #tpu.memory_space<semaphore_mem>>) src(%dma_wait3A_244 : memref<80xi32, #tpu.memory_space<hbm>>) dst(%arg6 : memref<80xi32, #tpu.memory_space<vmem>>)
      %dma_wait3A_245 = tpu.memref_slice %arg4[%add3A_242] : memref<320000xi32, #tpu.memory_space<hbm>> -> memref<80xi32, #tpu.memory_space<hbm>>
      %dma_wait3A_246 = tpu.memref_slice %arg4[%add3A_242] : memref<320000xi32, #tpu.memory_space<hbm>> -> memref<80xi32, #tpu.memory_space<hbm>>
      tpu.wait_dma2 semaphore(%arg27 : memref<!tpu.dma_semaphore, #tpu.memory_space<semaphore_mem>>) src(%dma_wait3A_246 : memref<80xi32, #tpu.memory_space<hbm>>) dst(%arg10 : memref<80xi32, #tpu.memory_space<vmem>>)
      %dma_start3A_247 = arith.constant 0 : i32
      %dma_start3A_248 = arith.constant 0 : i32
      %dma_start3A_249 = tpu.memref_slice %arg2[%dma_start3A_247, %dma_start3A_248] : memref<10000x128xf32, #tpu.memory_space<hbm>> -> memref<10000x128xf32, #tpu.memory_space<hbm>>
      tpu.enqueue_indirect_dma source(%dma_start3A_249 : memref<10000x128xf32, #tpu.memory_space<hbm>>) target(%arg14 : memref<80x128xf32, #tpu.memory_space<vmem>>) offsets(%arg6 : memref<80xi32, #tpu.memory_space<vmem>>) semaphore(%arg19 : memref<!tpu.dma_semaphore, #tpu.memory_space<semaphore_mem>>)
      %add3A_250 = arith.constant 3 : i32
      %add3A_251 = arith.addi %add3A_228, %add3A_250 : i32
      %mul3A_252 = arith.constant 80 : i32
      %mul3A_253 = arith.muli %add3A_251, %mul3A_252 : i32
      %add3A_254 = arith.addi %mul3A_2, %mul3A_253 : i32
      %dma_start3A_255 = tpu.memref_slice %arg3[%add3A_254] : memref<320000xi32, #tpu.memory_space<hbm>> -> memref<80xi32, #tpu.memory_space<hbm>>
      %dma_start3A_256 = tpu.memref_slice %arg3[%add3A_254] : memref<320000xi32, #tpu.memory_space<hbm>> -> memref<80xi32, #tpu.memory_space<hbm>>
      tpu.enqueue_dma source(%dma_start3A_256 : memref<80xi32, #tpu.memory_space<hbm>>) target(%arg7 : memref<80xi32, #tpu.memory_space<vmem>>) target_semaphore(%arg28 : memref<!tpu.dma_semaphore, #tpu.memory_space<semaphore_mem>>)
      %dma_start3A_257 = tpu.memref_slice %arg4[%add3A_254] : memref<320000xi32, #tpu.memory_space<hbm>> -> memref<80xi32, #tpu.memory_space<hbm>>
      %dma_start3A_258 = tpu.memref_slice %arg4[%add3A_254] : memref<320000xi32, #tpu.memory_space<hbm>> -> memref<80xi32, #tpu.memory_space<hbm>>
      tpu.enqueue_dma source(%dma_start3A_258 : memref<80xi32, #tpu.memory_space<hbm>>) target(%arg11 : memref<80xi32, #tpu.memory_space<vmem>>) target_semaphore(%arg28 : memref<!tpu.dma_semaphore, #tpu.memory_space<semaphore_mem>>)
      %add3A_259 = arith.constant 3 : i32
      %add3A_260 = arith.addi %mul3A_164, %add3A_259 : i32
      %dma_wait3A_261 = arith.constant 0 : i32
      %dma_wait3A_262 = arith.constant 0 : i32
      %dma_wait3A_263 = tpu.memref_slice %arg2[%dma_wait3A_261, %dma_wait3A_262] : memref<10000x128xf32, #tpu.memory_space<hbm>> -> memref<10000x128xf32, #tpu.memory_space<hbm>>
      tpu.wait_indirect_dma semaphore(%arg22 : memref<!tpu.dma_semaphore, #tpu.memory_space<semaphore_mem>>) src(%dma_wait3A_263 : memref<10000x128xf32, #tpu.memory_space<hbm>>) dst(%arg17 : memref<80x128xf32, #tpu.memory_space<vmem>>)
      %dma_start3A_264 = arith.constant 0 : i32
      %dma_start3A_265 = arith.constant 0 : i32
      %dma_start3A_266 = tpu.memref_slice %arg18[%dma_start3A_264, %dma_start3A_265] : memref<10000x128xf32, #tpu.memory_space<vmem_shared>> -> memref<10000x128xf32, #tpu.memory_space<vmem_shared>>
      tpu.enqueue_indirect_dma source(%arg17 : memref<80x128xf32, #tpu.memory_space<vmem>>) target(%dma_start3A_266 : memref<10000x128xf32, #tpu.memory_space<vmem_shared>>) offsets(%arg13 : memref<80xi32, #tpu.memory_space<vmem>>) semaphore(%arg26 : memref<!tpu.dma_semaphore, #tpu.memory_space<semaphore_mem>>) {add = true}
      %dma_wait3A_267 = arith.constant 0 : i32
      %dma_wait3A_268 = arith.constant 0 : i32
      %dma_wait3A_269 = tpu.memref_slice %arg18[%dma_wait3A_267, %dma_wait3A_268] : memref<10000x128xf32, #tpu.memory_space<vmem_shared>> -> memref<10000x128xf32, #tpu.memory_space<vmem_shared>>
      tpu.wait_indirect_dma semaphore(%arg25 : memref<!tpu.dma_semaphore, #tpu.memory_space<semaphore_mem>>) src(%arg16 : memref<80x128xf32, #tpu.memory_space<vmem>>) dst(%dma_wait3A_269 : memref<10000x128xf32, #tpu.memory_space<vmem_shared>>)
      %add3A_270 = arith.constant 2 : i32
      %add3A_271 = arith.addi %add3A_260, %add3A_270 : i32
      %mul3A_272 = arith.constant 80 : i32
      %mul3A_273 = arith.muli %add3A_271, %mul3A_272 : i32
      %add3A_274 = arith.addi %mul3A_2, %mul3A_273 : i32
      %dma_wait3A_275 = tpu.memref_slice %arg3[%add3A_274] : memref<320000xi32, #tpu.memory_space<hbm>> -> memref<80xi32, #tpu.memory_space<hbm>>
      %dma_wait3A_276 = tpu.memref_slice %arg3[%add3A_274] : memref<320000xi32, #tpu.memory_space<hbm>> -> memref<80xi32, #tpu.memory_space<hbm>>
      tpu.wait_dma2 semaphore(%arg28 : memref<!tpu.dma_semaphore, #tpu.memory_space<semaphore_mem>>) src(%dma_wait3A_276 : memref<80xi32, #tpu.memory_space<hbm>>) dst(%arg7 : memref<80xi32, #tpu.memory_space<vmem>>)
      %dma_wait3A_277 = tpu.memref_slice %arg4[%add3A_274] : memref<320000xi32, #tpu.memory_space<hbm>> -> memref<80xi32, #tpu.memory_space<hbm>>
      %dma_wait3A_278 = tpu.memref_slice %arg4[%add3A_274] : memref<320000xi32, #tpu.memory_space<hbm>> -> memref<80xi32, #tpu.memory_space<hbm>>
      tpu.wait_dma2 semaphore(%arg28 : memref<!tpu.dma_semaphore, #tpu.memory_space<semaphore_mem>>) src(%dma_wait3A_278 : memref<80xi32, #tpu.memory_space<hbm>>) dst(%arg11 : memref<80xi32, #tpu.memory_space<vmem>>)
      %dma_start3A_279 = arith.constant 0 : i32
      %dma_start3A_280 = arith.constant 0 : i32
      %dma_start3A_281 = tpu.memref_slice %arg2[%dma_start3A_279, %dma_start3A_280] : memref<10000x128xf32, #tpu.memory_space<hbm>> -> memref<10000x128xf32, #tpu.memory_space<hbm>>
      tpu.enqueue_indirect_dma source(%dma_start3A_281 : memref<10000x128xf32, #tpu.memory_space<hbm>>) target(%arg15 : memref<80x128xf32, #tpu.memory_space<vmem>>) offsets(%arg7 : memref<80xi32, #tpu.memory_space<vmem>>) semaphore(%arg20 : memref<!tpu.dma_semaphore, #tpu.memory_space<semaphore_mem>>)
      %add3A_282 = arith.constant 3 : i32
      %add3A_283 = arith.addi %add3A_260, %add3A_282 : i32
      %mul3A_284 = arith.constant 80 : i32
      %mul3A_285 = arith.muli %add3A_283, %mul3A_284 : i32
      %add3A_286 = arith.addi %mul3A_2, %mul3A_285 : i32
      %dma_start3A_287 = tpu.memref_slice %arg3[%add3A_286] : memref<320000xi32, #tpu.memory_space<hbm>> -> memref<80xi32, #tpu.memory_space<hbm>>
      %dma_start3A_288 = tpu.memref_slice %arg3[%add3A_286] : memref<320000xi32, #tpu.memory_space<hbm>> -> memref<80xi32, #tpu.memory_space<hbm>>
      tpu.enqueue_dma source(%dma_start3A_288 : memref<80xi32, #tpu.memory_space<hbm>>) target(%arg8 : memref<80xi32, #tpu.memory_space<vmem>>) target_semaphore(%arg29 : memref<!tpu.dma_semaphore, #tpu.memory_space<semaphore_mem>>)
      %dma_start3A_289 = tpu.memref_slice %arg4[%add3A_286] : memref<320000xi32, #tpu.memory_space<hbm>> -> memref<80xi32, #tpu.memory_space<hbm>>
      %dma_start3A_290 = tpu.memref_slice %arg4[%add3A_286] : memref<320000xi32, #tpu.memory_space<hbm>> -> memref<80xi32, #tpu.memory_space<hbm>>
      tpu.enqueue_dma source(%dma_start3A_290 : memref<80xi32, #tpu.memory_space<hbm>>) target(%arg12 : memref<80xi32, #tpu.memory_space<vmem>>) target_semaphore(%arg29 : memref<!tpu.dma_semaphore, #tpu.memory_space<semaphore_mem>>)
    }
    %scan3A_137 = arith.constant 30 : i32
    %dma_wait3A_138 = arith.constant 0 : i32
    %dma_wait3A_139 = arith.constant 0 : i32
    %dma_wait3A_140 = tpu.memref_slice %arg2[%dma_wait3A_138, %dma_wait3A_139] : memref<10000x128xf32, #tpu.memory_space<hbm>> -> memref<10000x128xf32, #tpu.memory_space<hbm>>
    tpu.wait_indirect_dma semaphore(%arg19 : memref<!tpu.dma_semaphore, #tpu.memory_space<semaphore_mem>>) src(%dma_wait3A_140 : memref<10000x128xf32, #tpu.memory_space<hbm>>) dst(%arg14 : memref<80x128xf32, #tpu.memory_space<vmem>>)
    %dma_start3A_141 = arith.constant 0 : i32
    %dma_start3A_142 = arith.constant 0 : i32
    %dma_start3A_143 = tpu.memref_slice %arg18[%dma_start3A_141, %dma_start3A_142] : memref<10000x128xf32, #tpu.memory_space<vmem_shared>> -> memref<10000x128xf32, #tpu.memory_space<vmem_shared>>
    tpu.enqueue_indirect_dma source(%arg14 : memref<80x128xf32, #tpu.memory_space<vmem>>) target(%dma_start3A_143 : memref<10000x128xf32, #tpu.memory_space<vmem_shared>>) offsets(%arg10 : memref<80xi32, #tpu.memory_space<vmem>>) semaphore(%arg23 : memref<!tpu.dma_semaphore, #tpu.memory_space<semaphore_mem>>) {add = true}
    %dma_wait3A_144 = arith.constant 0 : i32
    %dma_wait3A_145 = arith.constant 0 : i32
    %dma_wait3A_146 = tpu.memref_slice %arg18[%dma_wait3A_144, %dma_wait3A_145] : memref<10000x128xf32, #tpu.memory_space<vmem_shared>> -> memref<10000x128xf32, #tpu.memory_space<vmem_shared>>
    tpu.wait_indirect_dma semaphore(%arg26 : memref<!tpu.dma_semaphore, #tpu.memory_space<semaphore_mem>>) src(%arg17 : memref<80x128xf32, #tpu.memory_space<vmem>>) dst(%dma_wait3A_146 : memref<10000x128xf32, #tpu.memory_space<vmem_shared>>)
    %dma_wait3A_147 = arith.constant 0 : i32
    %dma_wait3A_148 = arith.constant 0 : i32
    %dma_wait3A_149 = tpu.memref_slice %arg18[%dma_wait3A_147, %dma_wait3A_148] : memref<10000x128xf32, #tpu.memory_space<vmem_shared>> -> memref<10000x128xf32, #tpu.memory_space<vmem_shared>>
    tpu.wait_indirect_dma semaphore(%arg23 : memref<!tpu.dma_semaphore, #tpu.memory_space<semaphore_mem>>) src(%arg14 : memref<80x128xf32, #tpu.memory_space<vmem>>) dst(%dma_wait3A_149 : memref<10000x128xf32, #tpu.memory_space<vmem_shared>>)
    %barrier3A_150 = arith.constant 0 : index
    tpu.barrier barrier_id(%barrier3A_150)
    %mul3A_151 = arith.constant 624 : i32
    %mul3A_152 = arith.muli %arg1, %mul3A_151 : i32
    "tpu.region"() ({
      %run_scoped3A = tpu.sem_alloc : memref<!tpu.dma_semaphore, #tpu.memory_space<semaphore_mem>>
      %dma_start3A_158 = arith.constant 0 : i32
      %dma_start3A_159 = arith.constant 0 : i32
      %dma_start3A_160 = tpu.memref_slice %arg5[%arg0, %dma_start3A_158, %dma_start3A_159] : memref<2x10000x128xf32, #tpu.memory_space<hbm>> -> memref<1x10000x128xf32, #tpu.memory_space<hbm>>
      %dma_start3A_161 = tpu.memref_squeeze %dma_start3A_160 : memref<1x10000x128xf32, #tpu.memory_space<hbm>> -> memref<10000x128xf32, #tpu.memory_space<hbm>>
      %dma_start3A_162 = arith.constant 0 : i32
      %dma_start3A_163 = tpu.memref_slice %dma_start3A_161[%mul3A_152, %dma_start3A_162] : memref<10000x128xf32, #tpu.memory_space<hbm>> -> memref<624x128xf32, #tpu.memory_space<hbm>>
      %dma_start3A_164 = arith.constant 0 : i32
      %dma_start3A_165 = tpu.memref_slice %arg18[%mul3A_152, %dma_start3A_164] : memref<10000x128xf32, #tpu.memory_space<vmem_shared>> -> memref<624x128xf32, #tpu.memory_space<vmem_shared>>
      tpu.enqueue_dma source(%dma_start3A_165 : memref<624x128xf32, #tpu.memory_space<vmem_shared>>) target(%dma_start3A_163 : memref<624x128xf32, #tpu.memory_space<hbm>>) target_semaphore(%run_scoped3A : memref<!tpu.dma_semaphore, #tpu.memory_space<semaphore_mem>>)
      %dma_wait3A_166 = arith.constant 0 : i32
      %dma_wait3A_167 = arith.constant 0 : i32
      %dma_wait3A_168 = tpu.memref_slice %arg5[%arg0, %dma_wait3A_166, %dma_wait3A_167] : memref<2x10000x128xf32, #tpu.memory_space<hbm>> -> memref<1x10000x128xf32, #tpu.memory_space<hbm>>
      %dma_wait3A_169 = tpu.memref_squeeze %dma_wait3A_168 : memref<1x10000x128xf32, #tpu.memory_space<hbm>> -> memref<10000x128xf32, #tpu.memory_space<hbm>>
      %dma_wait3A_170 = arith.constant 0 : i32
      %dma_wait3A_171 = tpu.memref_slice %dma_wait3A_169[%mul3A_152, %dma_wait3A_170] : memref<10000x128xf32, #tpu.memory_space<hbm>> -> memref<624x128xf32, #tpu.memory_space<hbm>>
      %dma_wait3A_172 = arith.constant 0 : i32
      %dma_wait3A_173 = tpu.memref_slice %arg18[%mul3A_152, %dma_wait3A_172] : memref<10000x128xf32, #tpu.memory_space<vmem_shared>> -> memref<624x128xf32, #tpu.memory_space<vmem_shared>>
      tpu.wait_dma2 semaphore(%run_scoped3A : memref<!tpu.dma_semaphore, #tpu.memory_space<semaphore_mem>>) src(%dma_wait3A_173 : memref<624x128xf32, #tpu.memory_space<vmem_shared>>) dst(%dma_wait3A_171 : memref<624x128xf32, #tpu.memory_space<hbm>>)
      tpu.yield
    }) : () -> ()
    %eq3A_153 = arith.constant 15 : i32
    %eq3A_154 = arith.cmpi eq, %arg1, %eq3A_153 : i32
    %convert_element_type3A_155 = arith.extui %eq3A_154 : i1 to i32
    %cond3A_156 = arith.constant 0 : i32
    %cond3A_157 = arith.cmpi ne, %convert_element_type3A_155, %cond3A_156 : i32
    scf.if %cond3A_157 {
      "tpu.region"() ({
        %run_scoped3A = tpu.sem_alloc : memref<!tpu.dma_semaphore, #tpu.memory_space<semaphore_mem>>
        %dma_start3A_158 = arith.constant 0 : i32
        %dma_start3A_159 = arith.constant 0 : i32
        %dma_start3A_160 = tpu.memref_slice %arg5[%arg0, %dma_start3A_158, %dma_start3A_159] : memref<2x10000x128xf32, #tpu.memory_space<hbm>> -> memref<1x10000x128xf32, #tpu.memory_space<hbm>>
        %dma_start3A_161 = tpu.memref_squeeze %dma_start3A_160 : memref<1x10000x128xf32, #tpu.memory_space<hbm>> -> memref<10000x128xf32, #tpu.memory_space<hbm>>
        %dma_start3A_162 = arith.constant 9984 : i32
        %dma_start3A_163 = arith.constant 0 : i32
        %dma_start3A_164 = tpu.memref_slice %dma_start3A_161[%dma_start3A_162, %dma_start3A_163] : memref<10000x128xf32, #tpu.memory_space<hbm>> -> memref<16x128xf32, #tpu.memory_space<hbm>>
        %dma_start3A_165 = arith.constant 9984 : i32
        %dma_start3A_166 = arith.constant 0 : i32
        %dma_start3A_167 = tpu.memref_slice %arg18[%dma_start3A_165, %dma_start3A_166] : memref<10000x128xf32, #tpu.memory_space<vmem_shared>> -> memref<16x128xf32, #tpu.memory_space<vmem_shared>>
        tpu.enqueue_dma source(%dma_start3A_167 : memref<16x128xf32, #tpu.memory_space<vmem_shared>>) target(%dma_start3A_164 : memref<16x128xf32, #tpu.memory_space<hbm>>) target_semaphore(%run_scoped3A : memref<!tpu.dma_semaphore, #tpu.memory_space<semaphore_mem>>)
        %dma_wait3A_168 = arith.constant 0 : i32
        %dma_wait3A_169 = arith.constant 0 : i32
        %dma_wait3A_170 = tpu.memref_slice %arg5[%arg0, %dma_wait3A_168, %dma_wait3A_169] : memref<2x10000x128xf32, #tpu.memory_space<hbm>> -> memref<1x10000x128xf32, #tpu.memory_space<hbm>>
        %dma_wait3A_171 = tpu.memref_squeeze %dma_wait3A_170 : memref<1x10000x128xf32, #tpu.memory_space<hbm>> -> memref<10000x128xf32, #tpu.memory_space<hbm>>
        %dma_wait3A_172 = arith.constant 9984 : i32
        %dma_wait3A_173 = arith.constant 0 : i32
        %dma_wait3A_174 = tpu.memref_slice %dma_wait3A_171[%dma_wait3A_172, %dma_wait3A_173] : memref<10000x128xf32, #tpu.memory_space<hbm>> -> memref<16x128xf32, #tpu.memory_space<hbm>>
        %dma_wait3A_175 = arith.constant 9984 : i32
        %dma_wait3A_176 = arith.constant 0 : i32
        %dma_wait3A_177 = tpu.memref_slice %arg18[%dma_wait3A_175, %dma_wait3A_176] : memref<10000x128xf32, #tpu.memory_space<vmem_shared>> -> memref<16x128xf32, #tpu.memory_space<vmem_shared>>
        tpu.wait_dma2 semaphore(%run_scoped3A : memref<!tpu.dma_semaphore, #tpu.memory_space<semaphore_mem>>) src(%dma_wait3A_177 : memref<16x128xf32, #tpu.memory_space<vmem_shared>>) dst(%dma_wait3A_174 : memref<16x128xf32, #tpu.memory_space<hbm>>)
        tpu.yield
      }) : () -> ()
    } else {
    }
    return
  }
}

</mosaic_0001>

<sc_bundles>
// kernel: wrapper.3.cloned.1.call-start
scs
__scs_entry_jumppad:
0x0: {  	(pc) =	sbr.rel $0x88, $3  }
0x1: {  	(tag) =	ssettag $0x0;
	lr =	simm.s32 $0x1  }
0x2: {  	[smem:$0x3F9E] =	sst lr;
	_ =	strace $0xD0000000  }
0x3: {  	_ = 	snop  }
0x4: {  	_ = 	snop  }
0x5: {  	_ = 	snop  }
0x6: {  	_ = 	snop  }
0x7: {  	_ = 	snop  }
__scs_overlays_trampoline_lowered:
0x8: {  	[smem:$0x3FAD] =	sst s0  }
0x9: {  	[smem:$0x3FAE] =	sst s1  }
0xa: {  	[smem:$0x3FAF] =	sst s2  }
0xb: {  	[smem:$0x3FB0] =	sst s3  }
0xc: {  	[smem:$0x3FB1] =	sst s4  }
0xd: {  	[smem:$0x3FB2] =	sst s5  }
0xe: {  	[smem:$0x3FB3] =	sst s6  }
0xf: {  	[smem:$0x3FB4] =	sst s7  }
0x10: {  	[smem:$0x3FB5] =	sst s8  }
0x11: {  	[smem:$0x3FB6] =	sst s9;
	s0 =	simm.s32 @!p0 $0x0  }
0x12: {  	s1 =	sld [smem:$0x3F9C];
	s0 =	simm.s32 @p0 $0x1  }
0x13: {  	[smem:$0x3FB7] =	sst s0;
	s0 =	simm.s32 @!p1 $0x0  }
0x14: {  	s2 =	sld [smem:$0x3F9B];
	s0 =	simm.s32 @p1 $0x1  }
0x15: {  	[smem:$0x3FB8] =	sst s0;
	s0 =	simm.s32 @!p2 $0x0  }
0x16: {  	s3 =	sld [smem:$0x3FDB];
	s0 =	simm.s32 @p2 $0x1  }
0x17: {  	s4 =	simm.s32 $0x1BF5;
	[smem:$0x3FBA] =	sst s0  }
0x18: {  	s0 =	sld [smem:$0x3F9D];
	_ =	swait.ge [sflag:s4], $0x0  }
0x19: {  	s7 =	sld [smem:$0x3F9E]  }
0x1a: {  	s8 =	sadd.s32 $0xFFFFE003, lr  }
0x1b: {  	s9 =	sadd.s32 $0xFFFFFEF7, lr;
	s5 =	simm.s32 $0xFFFFFFFF;
	p2 =	slt.u32 s8, $0xFFFFF086  }
0x1c: {  	p1 =	slt.u32 s9, $0xF7A;
	s5 =	simm.s32 @!p2 $0x0  }
0x1d: {  	s5 =	simm.s32 @p1 $0x1;
	p0 =	seq.s32 s7, s2  }
0x1e: {  	s7 =	smul.u32 @!p0 $0xF7A, s2;
	p2 =	seq.s32 @!p0 s5, $0x0  }
0x1f: {  	s9 =	smul.u32 $0xF7A, s1;
	s8 =	simm.s32 @!p0 $0x1BF5;
	p2 =	por !p2, p0  }
0x20: {  	[sflag:s8] =	ssyncset.s32 @!p0 $0xFFFFF086;
	s6 =	sadd.s32 @!p0 s3, s7;
	s7 =	simm.s32 @!p0 $0x108  }
0x21: {  	s3 =	sadd.s32 s3, s9;
	s6 =	sadd.s32 @!p0 $0x88, s6;
	s7 =	simm.s32 @p2 $0x1082  }
0x22: {  	[simem:s7], [sflag:s8] =	dma.local @!p0 [hbm:s6], $0xF7A  }
0x23: {  	s9 =	sor.u32 $0xD0000000, s2;
	s6 =	simm.s32 $0x108;
	_ =	swait.ge @!p0 [sflag:s8], $0x0  }
0x24: {  	s3 =	sadd.s32 $0x88, s3;
	s6 =	simm.s32 @!p1 $0x1082;
	[sflag:s4] =	ssyncset.s32 $0xFFFFF086  }
0x25: {  	[simem:s6], [sflag:s4] =	dma.local [hbm:s3], $0xF7A  }
0x26: {  	[smem:$0x3F9E] =	sst s1;
	(tag) =	ssettag s2;
	_ =	strace s9  }
0x27: {  	s1 =	sld [smem:$0x3FAE]  }
0x28: {  	s2 =	sld [smem:$0x3FAF]  }
0x29: {  	s4 =	sld [smem:$0x3FB1]  }
0x2a: {  	p0 =	seq.s32 s5, $0x0;
	s5 =	sld [smem:$0x3FB2]  }
0x2b: {  	s6 =	sld [smem:$0x3FB3]  }
0x2c: {  	s7 =	sld [smem:$0x3FB4]  }
0x2d: {  	s3 =	simm.s32 $0x108;
	s8 =	sld [smem:$0x3FB5]  }
0x2e: {  	s3 =	simm.s32 @!p0 $0x1082;
	s9 =	sld [smem:$0x3FB6]  }
0x2f: {  	lr =	sadd.s32 s0, s3;
	s0 =	sld [smem:$0x3FAD]  }
0x30: {  	s3 =	sld [smem:$0x3FB0]  }
0x31: {  	[smem:$0x3FB9] =	sst s10  }
0x32: {  	s10 =	sld [smem:$0x3FB7];
	_ =	sdelay $0x3  }
0x33: {  	p0 =	seq.s32 s10, $0x1;
	s10 =	sld [smem:$0x3FB9];
	_ =	sdelay $0x3  }
0x34: {  	[smem:$0x3FB9] =	sst s10  }
0x35: {  	s10 =	sld [smem:$0x3FB8];
	_ =	sdelay $0x3  }
0x36: {  	p1 =	seq.s32 s10, $0x1;
	s10 =	sld [smem:$0x3FB9];
	_ =	sdelay $0x3  }
0x37: {  	[smem:$0x3FB9] =	sst s10  }
0x38: {  	s10 =	sld [smem:$0x3FBA]  }
0x39: {  	_ = 	snop;
	(pc) =	sbr.ind lr, $3  }
0x3a: {  	_ = 	snop  }
0x3b: {  	_ = 	snop  }
0x3c: {  	p2 =	seq.s32 s10, $0x1;
	s10 =	sld [smem:$0x3FB9]  }
0x3d: {  	_ =	shalt  }
0x3e: {  	_ =	shalt  }
0x3f: {  	_ =	shalt  }
0x40: {  	_ =	shalt  }
0x41: {  	_ =	shalt  }
0x42: {  	_ =	shalt  }
0x43: {  	_ =	shalt  }
0x44: {  	_ =	shalt  }
0x45: {  	_ =	shalt  }
0x46: {  	_ =	shalt  }
0x47: {  	_ =	shalt  }
0x48: {  	_ =	shalt  }
0x49: {  	_ =	shalt  }
0x4a: {  	_ =	shalt  }
0x4b: {  	_ =	shalt  }
0x4c: {  	_ =	shalt  }
0x4d: {  	_ =	shalt  }
0x4e: {  	_ =	shalt  }
0x4f: {  	_ =	shalt  }
0x50: {  	_ =	shalt  }
0x51: {  	_ =	shalt  }
0x52: {  	_ =	shalt  }
0x53: {  	_ =	shalt  }
0x54: {  	_ =	shalt  }
0x55: {  	_ =	shalt  }
0x56: {  	_ =	shalt  }
0x57: {  	_ =	shalt  }
0x58: {  	_ =	shalt  }
0x59: {  	_ =	shalt  }
0x5a: {  	_ =	shalt  }
0x5b: {  	_ =	shalt  }
0x5c: {  	_ =	shalt  }
0x5d: {  	_ =	shalt  }
0x5e: {  	_ =	shalt  }
0x5f: {  	_ =	shalt  }
0x60: {  	_ =	shalt  }
0x61: {  	_ =	shalt  }
0x62: {  	_ =	shalt  }
0x63: {  	_ =	shalt  }
0x64: {  	_ =	shalt  }
0x65: {  	_ =	shalt  }
0x66: {  	_ =	shalt  }
0x67: {  	_ =	shalt  }
0x68: {  	_ =	shalt  }
0x69: {  	_ =	shalt  }
0x6a: {  	_ =	shalt  }
0x6b: {  	_ =	shalt  }
0x6c: {  	_ =	shalt  }
0x6d: {  	_ =	shalt  }
0x6e: {  	_ =	shalt  }
0x6f: {  	_ =	shalt  }
0x70: {  	_ =	shalt  }
0x71: {  	_ =	shalt  }
0x72: {  	_ =	shalt  }
0x73: {  	_ =	shalt  }
0x74: {  	_ =	shalt  }
0x75: {  	_ =	shalt  }
0x76: {  	_ =	shalt  }
0x77: {  	_ =	shalt  }
0x78: {  	_ =	shalt  }
0x79: {  	_ =	shalt  }
0x7a: {  	_ =	shalt  }
0x7b: {  	_ =	shalt  }
0x7c: {  	_ =	shalt  }
0x7d: {  	_ =	shalt  }
0x7e: {  	_ =	shalt  }
0x7f: {  	_ =	shalt  }
0x80: {  	_ =	shalt  }
0x81: {  	_ =	shalt  }
0x82: {  	_ =	shalt  }
0x83: {  	_ =	shalt  }
0x84: {  	_ =	shalt  }
0x85: {  	_ =	shalt  }
0x86: {  	_ =	shalt  }
0x87: {  	_ =	shalt  }
.Lfunc_end0:
.L_simem_size_0:
called_computation_lowered:
.L_overlay_start_0:
0x88: {  	s2 =	sld [smem:$0x3FD9]  }
0x89: {  	s3 =	sld [smem:$0x3FFE];
	_ =	sdelay $0x1  }
0x8a: {  	s1 =	srdreg.scid  }
0x8b: {  	s0 =	sand.u32 $0x1, s1  }
0x8c: {  	s18 =	sshll.u32 s0, $0xA;
	s2 =	sadd.s32 s3, s2  }
0x8d: {  	s2 =	sadd.s32 s2, s18  }
0x8e: {  	[smem:$0x3FC5] =	sst s2  }
0x8f: {  	_ = 	snop  }
0x90: {  	s2 =	sld [smem:$0x3FC9]  }
0x91: {  	s19 =	sld [smem:$0x3FC8]  }
0x92: {  	s4 =	sld [smem:$0x3FC7]  }
0x93: {  	s5 =	sld [smem:$0x3FD0];
	(tm) =	ssettm $0x1  }
0x94: {  	s6 =	sld [smem:$0x3FFB];
	_ =	sdelay $0x3  }
0x95: {  	_ =	strace s6  }
0x96: {  	s6 =	sld [smem:$0x3FFC];
	_ =	sdelay $0x3  }
0x97: {  	_ =	strace s6  }
0x98: {  	s6 =	sld [smem:$0x3FFD];
	_ =	sdelay $0x3  }
0x99: {  	_ =	strace s6  }
0x9a: {  	_ =	strace $0x8FFFFFFF  }
0x9b: {  	s20 =	sld [smem:$0x3FDB];
	_ =	sdelay $0x1  }
0x9c: {  	s7 =	simm.s32 $_scs_section_size  }
0x9d: {  	s8 =	simm.s32 $_size__tile_overlayer_lowered;
	s9 =	simm.s32 $_tile_overlayer_lowered  }
0x9e: {  	s23 =	simm.s32 $0x1BFF;
	s22 =	sshll.u32 s9, $0x1;
	s6 =	sadd.s32 s7, s20  }
0x9f: {  	s10 =	simm.s32 $0x0;
	s21 =	sshll.u32 s8, $0x1;
	s8 =	sadd.s32 s22, s6  }
0xa0: {  	[timem:s10], [sflag:s23] =	dma.local [hbm:s8], s21  }
0xa1: {  	_ =	swait.ge [sflag:s23], s21  }
0xa2: {  	s7 =	ssub.s32 $0x0, s21;
	[sflag:s23] =	ssyncset.done $0x0  }
0xa3: {  	[sflag:s23] =	ssyncadd.s32 s7;
	_ =	sdelay $0x1  }
0xa4: {  	s24 =	simm.s32 $0x1B8B  }
0xa5: {  	_ =	swait.ge [sflag:s24], $0x1  }
0xa6: {  	[sflag:s24] =	ssyncset.done $0x0  }
0xa7: {  	s25 =	simm.s32 $0x1B8E;
	[sflag:s24] =	ssyncadd.s32 $0xFFFFFFFF  }
0xa8: {  	s26 =	simm.s32 $execute0_lowered;
	[smem:$0x3FD2] =	sst s25  }
0xa9: {  	s7 =	sshll.u32 s26, $0x1;
	_ =	strace $0x80000046;
	[dreg:$0x1] =	wrdreg $0xFFFFFFFF  }
0xaa: {  	s28 =	simm.s32 $_size_execute0_lowered;
	s6 =	sadd.s32 s6, s7;
	[dreg:$0x0] =	wrdreg $0x0  }
0xab: {  	s7 =	sshll.u32 s28, $0x1;
	[dreg:$0x2] =	wrdreg s6  }
0xac: {  	[dreg:$0x3] =	wrdreg s7  }
0xad: {  	[dreg:$0x4] =	wrdreg $0xC0  }
0xae: {  	_ =	task [dreg:s10], $0x5FFFF  }
0xaf: {  	[dreg:$0x1] =	wrdreg $0xFFFFFFFF  }
0xb0: {  	[dreg:$0x0] =	wrdreg $0x60  }
0xb1: {  	[dreg:$0x2] =	wrdreg s2  }
0xb2: {  	[dreg:$0x3] =	wrdreg s19  }
0xb3: {  	[dreg:$0x4] =	wrdreg s4  }
0xb4: {  	[dreg:$0x5] =	wrdreg s5  }
0xb5: {  	[dreg:$0x6] =	wrdreg $0xA4000  }
0xb6: {  	[dreg:$0x7] =	wrdreg $0x9  }
0xb7: {  	_ =	task.clear_ibuf [dreg:s10], $0x8FFFF;
	_ =	strace $0x90000046  }
0xb8: {  	s29 =	simm.s32 $0x9;
	_ =	strace $0x80000048  }
0xb9: {  	_ =	swait.ge [sflag:s29], $0x1  }
0xba: {  	[sflag:s29] =	ssyncadd.s32 $0xFFFFFFFF  }
0xbb: {  	_ =	strace $0x90000048  }
0xbc: {  	_ =	sfence  }
0xbd: {  	s30 =	sld [smem:$0x0];
	_ =	sdelay $0x2  }
0xbe: {  	s31 =	sshll.u32 s1, $0xD;
	s1 =	sshrl.u32 s1, $0x2  }
0xbf: {  	s3 =	sand.u32 $0x4000, s31;
	s1 =	sadd.s32 s1, s30  }
0xc0: {  	s0 =	sor.u32 s3, s0;
	s1 =	sshll.u32 s1, $0x11  }
0xc1: {  	s0 =	sor.u32 s1, s0  }
0xc2: {  	s0 =	sadd.s32 $0x8F2B, s0  }
0xc3: {  	[sflag:s0] =	ssyncadd.remote.s32 $0x1  }
0xc4: {  	_ =	sfence.sel $0xFFFF  }
0xc5: {  	[dreg:$0x0] =	wrdreg $0xFFFFFFFF;
	(pc) =	sbr.abs _section_cstart, $3  }
0xc6: {  	[dreg:$0x1] =	wrdreg $0xFFFFFFFF  }
0xc7: {  	_ =	task.clear_ibuf [dreg:s10], $0x2FFFF;
	_ =	strace $0x9FFFFFFF  }
0xc8: {  	(tm) =	ssettm $0x7FFFFFFF  }
0xc9: {  	_ =	shalt  }
tec
execute0_lowered:
.L_overlay_start_1:
0x0: {  	(tag) =	ssettag $0x1  }
0x1: {  	s1 =	rddreg [dreg:$0x0]  }
0x2: {  	s0 =	rddreg [dreg:$0x1]  }
0x3: {  	s3 =	rddreg [dreg:$0x2]  }
0x4: {  	s5 =	rddreg [dreg:$0x3]  }
0x5: {  	s2 =	rddreg [dreg:$0x4];
	s4 =	srdreg.scid  }
0x6: {  	s15 =	stileid.u32;
	s28 =	simm.s32 $0xD;
	s29 =	simm.s32 $0x200  }
0x7: {  	s30 =	simm.s32 $0x80;
	s31 =	simm.s32 $0x280;
	s8 =	smul.u32 $0x4E000, s15  }
0x8: {  	s6 =	sand.u32 $0x1, s4;
	s4 =	simm.s32 $0x0;
	s16 =	smul.u32 $0x2700, s15  }
0x9: {  	s23 =	smul.u32 $0x2710, s15;
	p0 =	sne.s32 s15, $0xF;
	s7 =	sshll.u32 s6, $0x4  }
0xa: {  	[smem:$0x7FF] =	sst s4;
	s9 =	ssub.s32 $0x2, s6;
	s6 =	smul.u32 $0x27100, s6  }
0xb: {  	s7 =	sor.u32 s15, s7;
	_ =	strace $0x80000047;
	s10 =	sshrl.u32 s9, $0x1  }
0xc: {  	s8 =	sshrl.u32 s8, $0x2;
	[dreg:$0xe] =	wrdreg s16;
	s7 =	smul.u32 $0x2710, s7  }
0xd: {  	s9 =	ssub.s32 s9, s10;
	s8 =	sadd.s32 s8, s2;
	s10 =	sadd.s32 s23, s6  }
0xe: {  	s5 =	sadd.s32 s5, s6;
	s6 =	simm.s32 $0x9;
	[dreg:$0xf] =	wrdreg s8  }
0xf: {  	s8 =	sshll.u32 s15, $0x6;
	s14 =	sadd.s32 $0x320, s10;
	s7 =	sshrl.u32 s7, $0x3  }
0x10: {  	s21 =	sadd.s32 $0x280, s10;
	[dreg:$0x1a] =	wrdreg s5;
	s11 =	sadd.s32 s0, s7  }
0x11: {  	s24 =	sadd.s32 s3, s7;
	s25 =	sadd.s32 $0xA, s7;
	[dreg:$0x10] =	wrdreg s11  }
0x12: {  	s15 =	simm.s32 $0x2;
	[dreg:$0x11] =	wrdreg s24;
	s12 =	sadd.s32 s0, s25  }
0x13: {  	s26 =	sadd.s32 $0x14, s7;
	s11 =	sadd.s32 s3, s25;
	[dreg:$0x12] =	wrdreg s12  }
0x14: {  	s23 =	sshrl.u32 s21, $0x3;
	s13 =	sadd.s32 s0, s26;
	[dreg:$0x13] =	wrdreg s11  }
0x15: {  	s17 =	sadd.s32 $0x1E, s7;
	s24 =	sadd.s32 s23, s3;
	[dreg:$0x14] =	wrdreg s13  }
0x16: {  	s25 =	sadd.s32 $0x28, s7;
	s12 =	sadd.s32 s3, s26;
	[dreg:$0xa] =	wrdreg s24  }
0x17: {  	s11 =	sshrl.u32 s14, $0x3;
	s13 =	sadd.s32 s0, s17;
	[dreg:$0x15] =	wrdreg s12  }
0x18: {  	s14 =	sadd.s32 $0x2D0, s10;
	s26 =	sadd.s32 s0, s25;
	[dreg:$0x16] =	wrdreg s13  }
0x19: {  	s10 =	sadd.s32 $0x230, s10;
	s24 =	smax.u32 s9, $0x1;
	[dreg:$0x18] =	wrdreg s26  }
0x1a: {  	s9 =	simm.s32 $0xA;
	s18 =	sadd.s32 s11, s3;
	[smem:$0x7FA] =	sst s24  }
0x1b: {  	s11 =	sadd.s32 s11, s0;
	s19 =	sshrl.u32 s14, $0x3;
	[dreg:$0x6] =	wrdreg s18  }
0x1c: {  	s12 =	sadd.s32 s3, s17;
	s14 =	sadd.s32 s23, s0;
	[dreg:$0x7] =	wrdreg s11  }
0x1d: {  	s10 =	sshrl.u32 s10, $0x3;
	s26 =	sor.u32 $0x1C0D, s8;
	[dreg:$0x17] =	wrdreg s12  }
0x1e: {  	s23 =	sadd.s32 $0x138000, s2;
	s8 =	simm.s32 $0x400;
	[dreg:$0xb] =	wrdreg s14  }
0x1f: {  	s13 =	simm.s32 $0x180;
	s24 =	simm.s32 $0x7;
	[smem:$0x7F9] =	sst s23  }
0x20: {  	s20 =	sadd.s32 s19, s3;
	s22 =	sadd.s32 s19, s0;
	[smem:$0x7FD] =	sst s26  }
0x21: {  	s12 =	sadd.s32 s3, s25;
	s17 =	sadd.s32 s10, s3;
	[dreg:$0x8] =	wrdreg s20  }
0x22: {  	s18 =	sadd.s32 $0x32, s7;
	s25 =	sadd.s32 $0x27000, s1;
	[dreg:$0x9] =	wrdreg s22  }
0x23: {  	s11 =	simm.s32 $0xB;
	s14 =	simm.s32 $0x380;
	[dreg:$0x19] =	wrdreg s12  }
0x24: {  	[dreg:$0xc] =	wrdreg s17;
	s19 =	sadd.s32 s0, s18;
	s5 =	sadd.s32 s3, s18  }
0x25: {  	s20 =	sadd.s32 $0x3C, s7;
	s22 =	sadd.s32 s1, s16;
	[smem:$0x7FB] =	sst s25  }
0x26: {  	s7 =	simm.s32 $0x50;
	s12 =	simm.s32 $0x5400;
	[dreg:$0x1b] =	wrdreg s19  }
0x27: {  	s16 =	simm.s32 $0x5;
	s18 =	simm.s32 $0xC;
	[dreg:$0x1c] =	wrdreg s5  }
0x28: {  	s25 =	simm.s32 $0x8;
	s17 =	simm.s32 $0x0;
	[dreg:$0x1f] =	wrdreg s22  }
0x29: {  	s3 =	sadd.s32 s3, s20;
	s21 =	sadd.s32 s0, s20;
	[smem:$0x7FC] =	sst s17  }
0x2a: {  	s0 =	sadd.s32 s10, s0;
	s10 =	simm.s32 $0x2C00;
	[dreg:$0x1d] =	wrdreg s3  }
0x2b: {  	s5 =	simm.s32 $0x1;
	s19 =	simm.s32 $0x7C00;
	[dreg:$0x1e] =	wrdreg s21  }
0x2c: {  	s20 =	simm.s32 $0x3;
	s22 =	simm.s32 $0x4;
	[dreg:$0xd] =	wrdreg s0  }
0x2d: {  	s0 =	simm.s32 $0x100;
	s3 =	simm.s32 $0x300;
	s21 =	simm.s32 $0x6  }
.LBB2_1:
0x2e: {  	s17 =	rddreg [dreg:$0xf]  }
0x2f: {  	s23 =	sshrl.u32 s17, $0x3;
	s17 =	rddreg [dreg:$0x1f]  }
0x30: {  	[smem:$0x7F7] =	sst s23  }
0x31: {  	[spmem:s23], [sflag:s26] =	dma.local [hbm:s17], $0x2700  }
0x32: {  	_ =	swait.ge [sflag:s28], $0x2700  }
0x33: {  	s17 =	sld [smem:$0x7F9];
	_ =	sdelay $0x2  }
0x34: {  	s23 =	sshrl.u32 @!p0 s17, $0x3;
	s17 =	sld [smem:$0x7FB]  }
0x35: {  	[sflag:s28] =	ssyncset.done $0x0  }
0x36: {  	[sflag:s28] =	ssyncadd.s32 $0xFFFFD900;
	[smem:$0x7F8] =	sst s23  }
0x37: {  	[spmem:s23], [sflag:s26] =	dma.local @!p0 [hbm:s17], $0x100  }
0x38: {  	s17 =	simm.s32 @!p0 $0xD  }
0x39: {  	_ =	swait.ge @!p0 [sflag:s17], $0x100  }
0x3a: {  	[sflag:s17] =	ssyncset.done @!p0 $0x0  }
0x3b: {  	s26 =	rddreg [dreg:$0x10];
	[sflag:s17] =	ssyncadd.s32 @!p0 $0xFFFFFF00  }
0x3c: {  	[tilespmem:s4], [sflag:$0x9] =	stream.linear.gather [hbm4b:s26+s4], $0x50, $0x38;
	[tilespmem:$0x1DC80] =	vst v63  }
0x3d: {  	s23 =	rddreg [dreg:$0x11]  }
0x3e: {  	[tilespmem:s29], [sflag:$0x9] =	stream.linear.gather [hbm4b:s23+s4], $0x50, $0x38;
	[tilespmem:$0x1DC80] =	vst v63  }
0x3f: {  	s26 =	rddreg [dreg:$0x12]  }
0x40: {  	[tilespmem:s30], [sflag:$0xA] =	stream.linear.gather [hbm4b:s26+s4], $0x50, $0x38;
	[tilespmem:$0x1DC80] =	vst v63  }
0x41: {  	s23 =	rddreg [dreg:$0x13]  }
0x42: {  	[tilespmem:s31], [sflag:$0xA] =	stream.linear.gather [hbm4b:s23+s4], $0x50, $0x38;
	[tilespmem:$0x1DC80] =	vst v63  }
0x43: {  	s26 =	rddreg [dreg:$0x14]  }
0x44: {  	[tilespmem:s0], [sflag:$0xB] =	stream.linear.gather [hbm4b:s26+s4], $0x50, $0x38;
	[tilespmem:$0x1DC80] =	vst v63  }
0x45: {  	s23 =	rddreg [dreg:$0x15]  }
0x46: {  	[tilespmem:s3], [sflag:$0xB] =	stream.linear.gather [hbm4b:s23+s4], $0x50, $0x38;
	[tilespmem:$0x1DC80] =	vst v63  }
0x47: {  	[bflag:$0x0] =	sbarrier.arrive $0xFFFF  }
0x48: {  	_ =	swait.ge [sflag:s6], $0x50  }
0x49: {  	[sflag:s6] =	ssyncset.done $0x0  }
0x4a: {  	[sflag:s6] =	ssyncadd.s32 $0xFFFFFFB0  }
0x4b: {  	_ =	swait.ge [sflag:s6], $0x50  }
0x4c: {  	[sflag:s6] =	ssyncset.done $0x0  }
0x4d: {  	[sflag:s6] =	ssyncadd.s32 $0xFFFFFFB0  }
0x4e: {  	[tilespmem:s8], [sflag:$0x1] =	stream.indirect.gather [hbm4b:s1+s7], $0x80, s4, s7, $0xb8;
	[tilespmem:$0x1DC80] =	vst v63  }
0x4f: {  	_ =	swait.ge [sflag:s9], $0x50  }
0x50: {  	[sflag:s9] =	ssyncset.done $0x0  }
0x51: {  	[sflag:s9] =	ssyncadd.s32 $0xFFFFFFB0  }
0x52: {  	_ =	swait.ge [sflag:s9], $0x50  }
0x53: {  	[sflag:s9] =	ssyncset.done $0x0  }
0x54: {  	[sflag:s9] =	ssyncadd.s32 $0xFFFFFFB0  }
0x55: {  	[tilespmem:s10], [sflag:$0x2] =	stream.indirect.gather [hbm4b:s1+s7], $0x80, s30, s7, $0xb8;
	[tilespmem:$0x1DC80] =	vst v63  }
0x56: {  	_ =	swait.ge [sflag:s5], $0x2800  }
0x57: {  	[sflag:s5] =	ssyncset.done $0x0  }
0x58: {  	[sflag:s5] =	ssyncadd.s32 $0xFFFFD800  }
0x59: {  	[spmem:s2] =	stream.indirect.scatter.add.f32 [tilespmem:s8], [sflag:$0x5], $0x80, s29, s7, $0xb8;
	[tilespmem:$0x1DC80] =	vst v63  }
0x5a: {  	_ =	swait.ge [sflag:s11], $0x50  }
0x5b: {  	[sflag:s11] =	ssyncset.done $0x0  }
0x5c: {  	[sflag:s11] =	ssyncadd.s32 $0xFFFFFFB0  }
0x5d: {  	_ =	swait.ge [sflag:s11], $0x50  }
0x5e: {  	[sflag:s11] =	ssyncset.done $0x0  }
0x5f: {  	[sflag:s11] =	ssyncadd.s32 $0xFFFFFFB0  }
0x60: {  	[tilespmem:s12], [sflag:$0x3] =	stream.indirect.gather [hbm4b:s1+s7], $0x80, s0, s7, $0xb8;
	[tilespmem:$0x1DC80] =	vst v63  }
0x61: {  	s26 =	rddreg [dreg:$0x16]  }
0x62: {  	[tilespmem:s13], [sflag:$0xC] =	stream.linear.gather [hbm4b:s26+s4], $0x50, $0x38;
	[tilespmem:$0x1DC80] =	vst v63  }
0x63: {  	s23 =	rddreg [dreg:$0x17]  }
0x64: {  	[tilespmem:s14], [sflag:$0xC] =	stream.linear.gather [hbm4b:s23+s4], $0x50, $0x38;
	[tilespmem:$0x1DC80] =	vst v63  }
0x65: {  	_ =	swait.ge [sflag:s15], $0x2800  }
0x66: {  	[sflag:s15] =	ssyncset.done $0x0  }
0x67: {  	[sflag:s15] =	ssyncadd.s32 $0xFFFFD800  }
0x68: {  	[spmem:s2] =	stream.indirect.scatter.add.f32 [tilespmem:s10], [sflag:$0x6], $0x80, s31, s7, $0xb8;
	[tilespmem:$0x1DC80] =	vst v63  }
0x69: {  	_ =	swait.ge [sflag:s16], $0x2800  }
0x6a: {  	[sflag:s16] =	ssyncset.done $0x0  }
0x6b: {  	[sflag:s16] =	ssyncadd.s32 $0xFFFFD800  }
0x6c: {  	_ =	swait.ge [sflag:s18], $0x50  }
0x6d: {  	[sflag:s18] =	ssyncset.done $0x0  }
0x6e: {  	[sflag:s18] =	ssyncadd.s32 $0xFFFFFFB0  }
0x6f: {  	_ =	swait.ge [sflag:s18], $0x50  }
0x70: {  	[sflag:s18] =	ssyncset.done $0x0  }
0x71: {  	[sflag:s18] =	ssyncadd.s32 $0xFFFFFFB0  }
0x72: {  	[tilespmem:s19], [sflag:$0x4] =	stream.indirect.gather [hbm4b:s1+s7], $0x80, s13, s7, $0xb8;
	[tilespmem:$0x1DC80] =	vst v63  }
0x73: {  	s26 =	rddreg [dreg:$0x18]  }
0x74: {  	[tilespmem:s4], [sflag:$0x9] =	stream.linear.gather [hbm4b:s26+s4], $0x50, $0x38;
	[tilespmem:$0x1DC80] =	vst v63  }
0x75: {  	s23 =	rddreg [dreg:$0x19]  }
0x76: {  	[tilespmem:s29], [sflag:$0x9] =	stream.linear.gather [hbm4b:s23+s4], $0x50, $0x38;
	[tilespmem:$0x1DC80] =	vst v63  }
0x77: {  	_ =	swait.ge [sflag:s20], $0x2800  }
0x78: {  	[sflag:s20] =	ssyncset.done $0x0  }
0x79: {  	[sflag:s20] =	ssyncadd.s32 $0xFFFFD800  }
0x7a: {  	[spmem:s2] =	stream.indirect.scatter.add.f32 [tilespmem:s12], [sflag:$0x7], $0x80, s3, s7, $0xb8;
	[tilespmem:$0x1DC80] =	vst v63  }
0x7b: {  	_ =	swait.ge [sflag:s21], $0x2800  }
0x7c: {  	[sflag:s21] =	ssyncset.done $0x0  }
0x7d: {  	[sflag:s21] =	ssyncadd.s32 $0xFFFFD800  }
0x7e: {  	_ =	swait.ge [sflag:s6], $0x50  }
0x7f: {  	[sflag:s6] =	ssyncset.done $0x0  }
0x80: {  	[sflag:s6] =	ssyncadd.s32 $0xFFFFFFB0  }
0x81: {  	_ =	swait.ge [sflag:s6], $0x50  }
0x82: {  	[sflag:s6] =	ssyncset.done $0x0  }
0x83: {  	[sflag:s6] =	ssyncadd.s32 $0xFFFFFFB0  }
0x84: {  	[tilespmem:s8], [sflag:$0x1] =	stream.indirect.gather [hbm4b:s1+s7], $0x80, s4, s7, $0xb8;
	[tilespmem:$0x1DC80] =	vst v63  }
0x85: {  	s26 =	rddreg [dreg:$0x1b]  }
0x86: {  	[tilespmem:s30], [sflag:$0xA] =	stream.linear.gather [hbm4b:s26+s4], $0x50, $0x38;
	[tilespmem:$0x1DC80] =	vst v63  }
0x87: {  	s23 =	rddreg [dreg:$0x1c]  }
0x88: {  	[tilespmem:s31], [sflag:$0xA] =	stream.linear.gather [hbm4b:s23+s4], $0x50, $0x38;
	[tilespmem:$0x1DC80] =	vst v63  }
0x89: {  	_ =	swait.ge [sflag:s22], $0x2800  }
0x8a: {  	[sflag:s22] =	ssyncset.done $0x0  }
0x8b: {  	[sflag:s22] =	ssyncadd.s32 $0xFFFFD800  }
0x8c: {  	[spmem:s2] =	stream.indirect.scatter.add.f32 [tilespmem:s19], [sflag:$0x8], $0x80, s14, s7, $0xb8;
	[tilespmem:$0x1DC80] =	vst v63  }
0x8d: {  	_ =	swait.ge [sflag:s24], $0x2800  }
0x8e: {  	[sflag:s24] =	ssyncset.done $0x0  }
0x8f: {  	[sflag:s24] =	ssyncadd.s32 $0xFFFFD800  }
0x90: {  	_ =	swait.ge [sflag:s9], $0x50  }
0x91: {  	[sflag:s9] =	ssyncset.done $0x0  }
0x92: {  	[sflag:s9] =	ssyncadd.s32 $0xFFFFFFB0  }
0x93: {  	_ =	swait.ge [sflag:s9], $0x50  }
0x94: {  	[sflag:s9] =	ssyncset.done $0x0  }
0x95: {  	[sflag:s9] =	ssyncadd.s32 $0xFFFFFFB0  }
0x96: {  	[tilespmem:s10], [sflag:$0x2] =	stream.indirect.gather [hbm4b:s1+s7], $0x80, s30, s7, $0xb8;
	[tilespmem:$0x1DC80] =	vst v63  }
0x97: {  	s26 =	rddreg [dreg:$0x1e]  }
0x98: {  	[tilespmem:s0], [sflag:$0xB] =	stream.linear.gather [hbm4b:s26+s4], $0x50, $0x38;
	[tilespmem:$0x1DC80] =	vst v63  }
0x99: {  	s23 =	rddreg [dreg:$0x1d]  }
0x9a: {  	[tilespmem:s3], [sflag:$0xB] =	stream.linear.gather [hbm4b:s23+s4], $0x50, $0x38;
	[tilespmem:$0x1DC80] =	vst v63  }
0x9b: {  	_ =	swait.ge [sflag:s5], $0x2800  }
0x9c: {  	[sflag:s5] =	ssyncset.done $0x0  }
0x9d: {  	[sflag:s5] =	ssyncadd.s32 $0xFFFFD800  }
0x9e: {  	[spmem:s2] =	stream.indirect.scatter.add.f32 [tilespmem:s8], [sflag:$0x5], $0x80, s29, s7, $0xb8;
	[tilespmem:$0x1DC80] =	vst v63  }
0x9f: {  	_ =	swait.ge [sflag:s25], $0x2800  }
0xa0: {  	[sflag:s25] =	ssyncset.done $0x0  }
0xa1: {  	[sflag:s25] =	ssyncadd.s32 $0xFFFFD800  }
0xa2: {  	_ =	swait.ge [sflag:s11], $0x50  }
0xa3: {  	[sflag:s11] =	ssyncset.done $0x0  }
0xa4: {  	[sflag:s11] =	ssyncadd.s32 $0xFFFFFFB0  }
0xa5: {  	_ =	swait.ge [sflag:s11], $0x50  }
0xa6: {  	[sflag:s11] =	ssyncset.done $0x0  }
0xa7: {  	s26 =	rddreg [dreg:$0xd];
	[sflag:s11] =	ssyncadd.s32 $0xFFFFFFB0  }
0xa8: {  	[tilespmem:s12], [sflag:$0x3] =	stream.indirect.gather [hbm4b:s1+s7], $0x80, s0, s7, $0xb8;
	[tilespmem:$0x1DC80] =	vst v63  }
0xa9: {  	s28 =	rddreg [dreg:$0xc];
	s17 =	sadd.s32 $0x0, s26  }
0xaa: {  	[tilespmem:s13], [sflag:$0xC] =	stream.linear.gather [hbm4b:s17+s4], $0x50, $0x38;
	[tilespmem:$0x1DC80] =	vst v63  }
0xab: {  	s23 =	sadd.s32 $0x0, s28  }
0xac: {  	[tilespmem:s14], [sflag:$0xC] =	stream.linear.gather [hbm4b:s23+s4], $0x50, $0x38;
	[tilespmem:$0x1DC80] =	vst v63  }
0xad: {  	_ =	swait.ge [sflag:s15], $0x2800  }
0xae: {  	[sflag:s15] =	ssyncset.done $0x0  }
0xaf: {  	[sflag:s15] =	ssyncadd.s32 $0xFFFFD800  }
0xb0: {  	[spmem:s2] =	stream.indirect.scatter.add.f32 [tilespmem:s10], [sflag:$0x6], $0x80, s31, s7, $0xb8;
	[tilespmem:$0x1DC80] =	vst v63  }
0xb1: {  	_ =	swait.ge [sflag:s16], $0x2800  }
0xb2: {  	[sflag:s16] =	ssyncset.done $0x0  }
0xb3: {  	[sflag:s16] =	ssyncadd.s32 $0xFFFFD800  }
0xb4: {  	_ =	swait.ge [sflag:s18], $0x50  }
0xb5: {  	[sflag:s18] =	ssyncset.done $0x0  }
0xb6: {  	[sflag:s18] =	ssyncadd.s32 $0xFFFFFFB0  }
0xb7: {  	_ =	swait.ge [sflag:s18], $0x50  }
0xb8: {  	[sflag:s18] =	ssyncset.done $0x0  }
0xb9: {  	s26 =	rddreg [dreg:$0xb];
	[sflag:s18] =	ssyncadd.s32 $0xFFFFFFB0  }
0xba: {  	[tilespmem:s19], [sflag:$0x4] =	stream.indirect.gather [hbm4b:s1+s7], $0x80, s13, s7, $0xb8;
	[tilespmem:$0x1DC80] =	vst v63  }
0xbb: {  	s28 =	rddreg [dreg:$0xa];
	s17 =	sadd.s32 $0x0, s26  }
0xbc: {  	[tilespmem:s4], [sflag:$0x9] =	stream.linear.gather [hbm4b:s17+s4], $0x50, $0x38;
	[tilespmem:$0x1DC80] =	vst v63  }
0xbd: {  	s23 =	sadd.s32 $0x0, s28  }
0xbe: {  	[tilespmem:s29], [sflag:$0x9] =	stream.linear.gather [hbm4b:s23+s4], $0x50, $0x38;
	[tilespmem:$0x1DC80] =	vst v63  }
0xbf: {  	_ =	swait.ge [sflag:s20], $0x2800  }
0xc0: {  	[sflag:s20] =	ssyncset.done $0x0  }
0xc1: {  	[sflag:s20] =	ssyncadd.s32 $0xFFFFD800  }
0xc2: {  	[spmem:s2] =	stream.indirect.scatter.add.f32 [tilespmem:s12], [sflag:$0x7], $0x80, s3, s7, $0xb8;
	[tilespmem:$0x1DC80] =	vst v63  }
0xc3: {  	_ =	swait.ge [sflag:s21], $0x2800  }
0xc4: {  	[sflag:s21] =	ssyncset.done $0x0  }
0xc5: {  	[sflag:s21] =	ssyncadd.s32 $0xFFFFD800  }
0xc6: {  	_ =	swait.ge [sflag:s6], $0x50  }
0xc7: {  	[sflag:s6] =	ssyncset.done $0x0  }
0xc8: {  	[sflag:s6] =	ssyncadd.s32 $0xFFFFFFB0  }
0xc9: {  	_ =	swait.ge [sflag:s6], $0x50  }
0xca: {  	[sflag:s6] =	ssyncset.done $0x0  }
0xcb: {  	s26 =	rddreg [dreg:$0x9];
	[sflag:s6] =	ssyncadd.s32 $0xFFFFFFB0  }
0xcc: {  	[tilespmem:s8], [sflag:$0x1] =	stream.indirect.gather [hbm4b:s1+s7], $0x80, s4, s7, $0xb8;
	[tilespmem:$0x1DC80] =	vst v63  }
0xcd: {  	s28 =	rddreg [dreg:$0x8];
	s17 =	sadd.s32 $0x0, s26  }
0xce: {  	[tilespmem:s30], [sflag:$0xA] =	stream.linear.gather [hbm4b:s17+s4], $0x50, $0x38;
	[tilespmem:$0x1DC80] =	vst v63  }
0xcf: {  	s23 =	sadd.s32 $0x0, s28  }
0xd0: {  	[tilespmem:s31], [sflag:$0xA] =	stream.linear.gather [hbm4b:s23+s4], $0x50, $0x38;
	[tilespmem:$0x1DC80] =	vst v63  }
0xd1: {  	_ =	swait.ge [sflag:s22], $0x2800  }
0xd2: {  	[sflag:s22] =	ssyncset.done $0x0  }
0xd3: {  	[sflag:s22] =	ssyncadd.s32 $0xFFFFD800  }
0xd4: {  	[spmem:s2] =	stream.indirect.scatter.add.f32 [tilespmem:s19], [sflag:$0x8], $0x80, s14, s7, $0xb8;
	[tilespmem:$0x1DC80] =	vst v63  }
0xd5: {  	_ =	swait.ge [sflag:s24], $0x2800  }
0xd6: {  	[sflag:s24] =	ssyncset.done $0x0  }
0xd7: {  	[sflag:s24] =	ssyncadd.s32 $0xFFFFD800  }
0xd8: {  	_ =	swait.ge [sflag:s9], $0x50  }
0xd9: {  	[sflag:s9] =	ssyncset.done $0x0  }
0xda: {  	[sflag:s9] =	ssyncadd.s32 $0xFFFFFFB0  }
0xdb: {  	_ =	swait.ge [sflag:s9], $0x50  }
0xdc: {  	[sflag:s9] =	ssyncset.done $0x0  }
0xdd: {  	s26 =	rddreg [dreg:$0x7];
	[sflag:s9] =	ssyncadd.s32 $0xFFFFFFB0  }
0xde: {  	[tilespmem:s10], [sflag:$0x2] =	stream.indirect.gather [hbm4b:s1+s7], $0x80, s30, s7, $0xb8;
	[tilespmem:$0x1DC80] =	vst v63  }
0xdf: {  	s28 =	rddreg [dreg:$0x6];
	s17 =	sadd.s32 $0x0, s26  }
0xe0: {  	[tilespmem:s0], [sflag:$0xB] =	stream.linear.gather [hbm4b:s17+s4], $0x50, $0x38;
	[tilespmem:$0x1DC80] =	vst v63  }
0xe1: {  	s28 =	sadd.s32 $0x0, s28;
	s17 =	simm.s32 $0x28  }
.LBB2_2:
0xe2: {  	[tilespmem:s3], [sflag:$0xB] =	stream.linear.gather [hbm4b:s28+s4], $0x50, $0x38;
	[tilespmem:$0x1DC80] =	vst v63  }
0xe3: {  	_ =	swait.ge [sflag:s5], $0x2800  }
0xe4: {  	[sflag:s5] =	ssyncset.done $0x0  }
0xe5: {  	[sflag:s5] =	ssyncadd.s32 $0xFFFFD800  }
0xe6: {  	[spmem:s2] =	stream.indirect.scatter.add.f32 [tilespmem:s8], [sflag:$0x5], $0x80, s29, s7, $0xb8;
	[tilespmem:$0x1DC80] =	vst v63  }
0xe7: {  	_ =	swait.ge [sflag:s25], $0x2800  }
0xe8: {  	[sflag:s25] =	ssyncset.done $0x0  }
0xe9: {  	[sflag:s25] =	ssyncadd.s32 $0xFFFFD800  }
0xea: {  	_ =	swait.ge [sflag:s11], $0x50  }
0xeb: {  	[sflag:s11] =	ssyncset.done $0x0  }
0xec: {  	[sflag:s11] =	ssyncadd.s32 $0xFFFFFFB0  }
0xed: {  	_ =	swait.ge [sflag:s11], $0x50  }
0xee: {  	[sflag:s11] =	ssyncset.done $0x0  }
0xef: {  	s28 =	smov.u32 s17;
	s23 =	rddreg [dreg:$0xd];
	[sflag:s11] =	ssyncadd.s32 $0xFFFFFFB0  }
0xf0: {  	[tilespmem:s12], [sflag:$0x3] =	stream.indirect.gather [hbm4b:s1+s7], $0x80, s0, s7, $0xb8;
	[tilespmem:$0x1DC80] =	vst v63  }
0xf1: {  	s26 =	rddreg [dreg:$0xc];
	s23 =	sadd.s32 s28, s23  }
0xf2: {  	[tilespmem:s13], [sflag:$0xC] =	stream.linear.gather [hbm4b:s23+s4], $0x50, $0x38;
	[tilespmem:$0x1DC80] =	vst v63  }
0xf3: {  	s26 =	sadd.s32 s28, s26  }
0xf4: {  	[tilespmem:s14], [sflag:$0xC] =	stream.linear.gather [hbm4b:s26+s4], $0x50, $0x38;
	[tilespmem:$0x1DC80] =	vst v63  }
0xf5: {  	_ =	swait.ge [sflag:s15], $0x2800  }
0xf6: {  	[sflag:s15] =	ssyncset.done $0x0  }
0xf7: {  	[sflag:s15] =	ssyncadd.s32 $0xFFFFD800  }
0xf8: {  	[spmem:s2] =	stream.indirect.scatter.add.f32 [tilespmem:s10], [sflag:$0x6], $0x80, s31, s7, $0xb8;
	[tilespmem:$0x1DC80] =	vst v63  }
0xf9: {  	_ =	swait.ge [sflag:s16], $0x2800  }
0xfa: {  	[sflag:s16] =	ssyncset.done $0x0  }
0xfb: {  	[sflag:s16] =	ssyncadd.s32 $0xFFFFD800  }
0xfc: {  	_ =	swait.ge [sflag:s18], $0x50  }
0xfd: {  	[sflag:s18] =	ssyncset.done $0x0  }
0xfe: {  	[sflag:s18] =	ssyncadd.s32 $0xFFFFFFB0  }
0xff: {  	_ =	swait.ge [sflag:s18], $0x50  }
0x100: {  	[sflag:s18] =	ssyncset.done $0x0  }
0x101: {  	s23 =	rddreg [dreg:$0xb];
	[sflag:s18] =	ssyncadd.s32 $0xFFFFFFB0  }
0x102: {  	[tilespmem:s19], [sflag:$0x4] =	stream.indirect.gather [hbm4b:s1+s7], $0x80, s13, s7, $0xb8;
	[tilespmem:$0x1DC80] =	vst v63  }
0x103: {  	s26 =	rddreg [dreg:$0xa];
	s23 =	sadd.s32 s28, s23  }
0x104: {  	[tilespmem:s4], [sflag:$0x9] =	stream.linear.gather [hbm4b:s23+s4], $0x50, $0x38;
	[tilespmem:$0x1DC80] =	vst v63  }
0x105: {  	s26 =	sadd.s32 s28, s26  }
0x106: {  	[tilespmem:s29], [sflag:$0x9] =	stream.linear.gather [hbm4b:s26+s4], $0x50, $0x38;
	[tilespmem:$0x1DC80] =	vst v63  }
0x107: {  	_ =	swait.ge [sflag:s20], $0x2800  }
0x108: {  	[sflag:s20] =	ssyncset.done $0x0  }
0x109: {  	[sflag:s20] =	ssyncadd.s32 $0xFFFFD800  }
0x10a: {  	[spmem:s2] =	stream.indirect.scatter.add.f32 [tilespmem:s12], [sflag:$0x7], $0x80, s3, s7, $0xb8;
	[tilespmem:$0x1DC80] =	vst v63  }
0x10b: {  	_ =	swait.ge [sflag:s21], $0x2800  }
0x10c: {  	[sflag:s21] =	ssyncset.done $0x0  }
0x10d: {  	[sflag:s21] =	ssyncadd.s32 $0xFFFFD800  }
0x10e: {  	_ =	swait.ge [sflag:s6], $0x50  }
0x10f: {  	[sflag:s6] =	ssyncset.done $0x0  }
0x110: {  	[sflag:s6] =	ssyncadd.s32 $0xFFFFFFB0  }
0x111: {  	_ =	swait.ge [sflag:s6], $0x50  }
0x112: {  	[sflag:s6] =	ssyncset.done $0x0  }
0x113: {  	s23 =	rddreg [dreg:$0x9];
	[sflag:s6] =	ssyncadd.s32 $0xFFFFFFB0  }
0x114: {  	[tilespmem:s8], [sflag:$0x1] =	stream.indirect.gather [hbm4b:s1+s7], $0x80, s4, s7, $0xb8;
	[tilespmem:$0x1DC80] =	vst v63  }
0x115: {  	s26 =	rddreg [dreg:$0x8];
	s23 =	sadd.s32 s28, s23  }
0x116: {  	[tilespmem:s30], [sflag:$0xA] =	stream.linear.gather [hbm4b:s23+s4], $0x50, $0x38;
	[tilespmem:$0x1DC80] =	vst v63  }
0x117: {  	s26 =	sadd.s32 s28, s26  }
0x118: {  	[tilespmem:s31], [sflag:$0xA] =	stream.linear.gather [hbm4b:s26+s4], $0x50, $0x38;
	[tilespmem:$0x1DC80] =	vst v63  }
0x119: {  	_ =	swait.ge [sflag:s22], $0x2800  }
0x11a: {  	[sflag:s22] =	ssyncset.done $0x0  }
0x11b: {  	[sflag:s22] =	ssyncadd.s32 $0xFFFFD800  }
0x11c: {  	[spmem:s2] =	stream.indirect.scatter.add.f32 [tilespmem:s19], [sflag:$0x8], $0x80, s14, s7, $0xb8;
	[tilespmem:$0x1DC80] =	vst v63  }
0x11d: {  	_ =	swait.ge [sflag:s24], $0x2800  }
0x11e: {  	[sflag:s24] =	ssyncset.done $0x0  }
0x11f: {  	[sflag:s24] =	ssyncadd.s32 $0xFFFFD800  }
0x120: {  	_ =	swait.ge [sflag:s9], $0x50  }
0x121: {  	[sflag:s9] =	ssyncset.done $0x0  }
0x122: {  	[sflag:s9] =	ssyncadd.s32 $0xFFFFFFB0  }
0x123: {  	p1 =	sne.s32 s17, $0x488;
	_ =	swait.ge [sflag:s9], $0x50  }
.Ltmp0:
0x124: {  	[sflag:s9] =	ssyncset.done $0x0;
	s23 =	rddreg [dreg:$0x7];
	(pc) =	sbr.rel @p1 .LBB2_2-.Ltmp0, $4  }
0x125: {  	s26 =	rddreg [dreg:$0x6];
	[sflag:s9] =	ssyncadd.s32 $0xFFFFFFB0  }
0x126: {  	[tilespmem:s10], [sflag:$0x2] =	stream.indirect.gather [hbm4b:s1+s7], $0x80, s30, s7, $0xb8;
	[tilespmem:$0x1DC80] =	vst v63  }
0x127: {  	s17 =	sadd.s32 $0x28, s17;
	s23 =	sadd.s32 s28, s23;
	s28 =	sadd.s32 s28, s26  }
0x128: {  	[tilespmem:s0], [sflag:$0xB] =	stream.linear.gather [hbm4b:s23+s4], $0x50, $0x38;
	[tilespmem:$0x1DC80] =	vst v63  }
0x129: {  	[tilespmem:s3], [sflag:$0xB] =	stream.linear.gather [hbm4b:s28+s4], $0x50, $0x38;
	[tilespmem:$0x1DC80] =	vst v63  }
0x12a: {  	_ =	swait.ge [sflag:s5], $0x2800  }
0x12b: {  	[sflag:s5] =	ssyncset.done $0x0  }
0x12c: {  	[sflag:s5] =	ssyncadd.s32 $0xFFFFD800  }
0x12d: {  	[spmem:s2] =	stream.indirect.scatter.add.f32 [tilespmem:s8], [sflag:$0x5], $0x80, s29, s7, $0xb8;
	[tilespmem:$0x1DC80] =	vst v63  }
0x12e: {  	_ =	swait.ge [sflag:s25], $0x2800  }
0x12f: {  	[sflag:s25] =	ssyncset.done $0x0  }
0x130: {  	[sflag:s25] =	ssyncadd.s32 $0xFFFFD800  }
0x131: {  	_ =	swait.ge [sflag:s16], $0x2800  }
0x132: {  	[sflag:s16] =	ssyncset.done $0x0  }
0x133: {  	[sflag:s16] =	ssyncadd.s32 $0xFFFFD800  }
0x134: {  	[bflag:$0x0] =	sbarrier.arrive $0xFFFF  }
0x135: {  	s17 =	rddreg [dreg:$0xe]  }
0x136: {  	s26 =	sld [smem:$0x7FD]  }
0x137: {  	s28 =	sld [smem:$0x7F7]  }
0x138: {  	s23 =	rddreg [dreg:$0x1a]  }
0x139: {  	s17 =	sadd.s32 s17, s23  }
0x13a: {  	[hbm:s17], [sflag:s26] =	dma.local [spmem:s28], $0x2700  }
0x13b: {  	s28 =	simm.s32 $0xD  }
0x13c: {  	_ =	swait.ge [sflag:s28], $0x2700  }
0x13d: {  	s17 =	sadd.s32 @!p0 $0x27000, s23;
	s23 =	sld [smem:$0x7F8]  }
0x13e: {  	[sflag:s28] =	ssyncset.done $0x0  }
0x13f: {  	[sflag:s28] =	ssyncadd.s32 $0xFFFFD900  }
0x140: {  	[hbm:s17], [sflag:s26] =	dma.local @!p0 [spmem:s23], $0x100  }
0x141: {  	s23 =	simm.s32 @!p0 $0xD  }
0x142: {  	_ =	swait.ge @!p0 [sflag:s23], $0x100  }
0x143: {  	s17 =	sld [smem:$0x7FC]  }
0x144: {  	[sflag:s23] =	ssyncset.done @!p0 $0x0;
	s23 =	sld [smem:$0x7FA];
	_ =	sdelay $0x1  }
0x145: {  	s17 =	sadd.s32 $0x1, s17  }
0x146: {  	p1 =	sne.s32 s17, s23  }
.Ltmp1:
0x147: {  	_ = 	snop;
	(pc) =	sbr.rel @p1 .LBB2_1-.Ltmp1, $3  }
0x148: {  	_ =	sdelay $0x1  }
0x149: {  	[smem:$0x7FC] =	sst s17;
	s17 =	simm.s32 @!p0 $0xD  }
0x14a: {  	[sflag:s17] =	ssyncadd.s32 @!p0 $0xFFFFFF00  }
0x14b: {  	_ =	sfence.sel $0x180000  }
0x14c: {  	[bflag:$0x0] =	sbarrier.arrive $0xFFFF  }
0x14d: {  	_ =	strace $0x90000047  }
0x14e: {  	s0 =	stileid.u32;
	[bflag:$0x2] =	sbarrier.arrive $0xFFFF  }
0x14f: {  	p0 =	sne.s32 s0, $0x0;
	s0 =	rddreg [dreg:$0x5]  }
0x150: {  	s0 =	sadd.s32 @!p0 $0x100000, s0  }
0x151: {  	[sflag:s0] =	ssyncadd.tile.s32 @!p0 $0x1;
	_ =	shalt  }
.Lfunc_end2:
_tile_overlayer_lowered:
.L_overlay_start_2:
0x152: {  	(tag) =	ssettag $0x2  }
0x153: {  	s0 =	rddreg [dreg:$0x0];
	s2 =	stileid.u32  }
0x154: {  	s1 =	rddreg [dreg:$0x1];
	p0 =	sne.s32 s2, $0x0  }
0x155: {  	s3 =	rddreg [dreg:$0x2];
	[bflag:$0x3] =	sbarrier.arrive $0xFFFF;
	s2 =	simm.s32 @!p0 $0x1C0D  }
0x156: {  	[timem:s3], [sflag:s2] =	dma.local @!p0 [hbm:s0], s1  }
0x157: {  	s0 =	simm.s32 @!p0 $0xD  }
0x158: {  	_ =	swait.ge @!p0 [sflag:s0], s1  }
0x159: {  	s1 =	ssub.s32 @!p0 $0x0, s1;
	[sflag:s0] =	ssyncset.done @!p0 $0x0  }
0x15a: {  	[sflag:s0] =	ssyncadd.s32 @!p0 s1  }
0x15b: {  	[bflag:$0x3] =	sbarrier.arrive $0xFFFF  }
0x15c: {  	_ =	shalt  }

</sc_bundles>
